<compile_context>
chip_gen: v7x
topology: tpu7x:2x2x1
jax: 0.10.2.dev20260603
libtpu: 0.0.44.dev20260713+nightly
codegen_flags: <defaults>
</compile_context>

<pallas_src>
import functools

import jax
import jax.numpy as jnp
from jax import lax
from jax.experimental import pallas as pl
from jax.experimental.pallas import tpu as pltpu
from jax.experimental.pallas import tpu_sc as plsc

_LQ = 4096
_LK = 4096
_BW = 1024
_WSUB = 1280
_BR = 512


def _sc_body(table_hbm, delta_hbm, band_hbm, table_v, delta_v, win_v, sem):
    cid = lax.axis_index("c")
    sid = lax.axis_index("s")
    wid = sid * 2 + cid
    residue = wid % 8
    m0 = (wid // 8) * 128

    pltpu.sync_copy(table_hbm, table_v)
    pltpu.sync_copy(delta_hbm, delta_v)
    dvec = delta_v[...]
    dsc = dvec[0]
    iot = lax.broadcasted_iota(jnp.int32, (16,), 0)

    for q in range(4):
        mq = m0 + 32 * q
        i0b = 8 * mq - (8 * mq) % _BR
        cstart = jnp.clip(
            jnp.right_shift(i0b - dsc - 129, 7) * 128, 0, _LK - _BW)
        c0q = iot + (cstart - 120 - residue - 8 * mq) + dvec

        def build(tb, carry, c0q=c0q, q=q):
            idx = jnp.clip(c0q + tb * 16, 0, 256)
            win_v[pl.ds(pl.multiple_of(q * _WSUB + tb * 16, 8), 16)] = \
                plsc.load_gather(table_v, [idx])
            return carry

        lax.fori_loop(0, _WSUB // 16, build, 0)

    for q in range(4):
        def rows(blk, carry, q=q):
            for j in range(8):
                src_off = pl.multiple_of(
                    q * _WSUB + 248 - 64 * blk - 8 * j, 8)
                dst_off = pl.multiple_of(
                    (residue + 8 * (m0 + 32 * q + 8 * blk + j)) * _BW, 8)
                pltpu.async_copy(
                    win_v.at[pl.ds(src_off, _BW)],
                    band_hbm.at[pl.ds(dst_off, _BW)], sem)
            return carry

        lax.fori_loop(0, 4, rows, 0)

    def drain(blk, carry):
        for _ in range(8):
            pltpu.make_async_copy(
                win_v.at[pl.ds(0, _BW)], band_hbm.at[pl.ds(0, _BW)], sem
            ).wait()
        return carry

    lax.fori_loop(0, 16, drain, 0)


def _sc_call(table_p, delta_arr):
    mesh = plsc.VectorSubcoreMesh(core_axis_name="c", subcore_axis_name="s")
    return pl.kernel(
        _sc_body,
        out_type=jax.ShapeDtypeStruct((_LQ * _BW,), jnp.float32),
        mesh=mesh,
        compiler_params=pltpu.CompilerParams(needs_layout_passes=False),
        scratch_types=[
            pltpu.VMEM((257,), jnp.float32),
            pltpu.VMEM((16,), jnp.int32),
            pltpu.VMEM((4 * _WSUB,), jnp.float32),
            pltpu.SemaphoreType.DMA,
        ],
    )(table_p, delta_arr)


def _tc_body(dsm_ref, tsm_ref, band_ref, out_ref):
    i0 = pl.program_id(0) * _BR
    delta = dsm_ref[0]
    c_lo = tsm_ref[0]
    c_hi = tsm_ref[256]
    cstart = jnp.clip(
        jnp.right_shift(i0 - delta - 129, 7) * 128, 0, _LK - _BW)

    cols_f = lax.broadcasted_iota(jnp.int32, (_BR, _LK), 1)
    out_ref[...] = jnp.where(cols_f < cstart + _BW // 2, c_lo, c_hi)

    band = band_ref[...].reshape(_BR, _BW)
    rows_w = i0 + lax.broadcasted_iota(jnp.int32, (_BR, _BW), 0)
    cols_w = cstart + lax.broadcasted_iota(jnp.int32, (_BR, _BW), 1)
    d_w = cols_w - rows_w + delta
    mixed = jnp.where(d_w <= -128, c_lo, jnp.where(d_w >= 128, c_hi, band))
    out_ref[:, pl.ds(pl.multiple_of(cstart, 128), _BW)] = mixed


def _tc_call(delta_arr, table_p, band3):
    return pl.pallas_call(
        _tc_body,
        grid=(_LQ // _BR,),
        in_specs=[
            pl.BlockSpec(memory_space=pltpu.SMEM),
            pl.BlockSpec(memory_space=pltpu.SMEM),
            pl.BlockSpec((_BR, _BW // 128, 128), lambda i: (i, 0, 0)),
        ],
        out_specs=pl.BlockSpec((_BR, _LK), lambda i: (i, 0)),
        out_shape=jax.ShapeDtypeStruct((_LQ, _LK), jnp.float32),
    )(delta_arr, table_p, band3)


@jax.jit
def _rel_pos(table_p, delta_arr):
    band = _sc_call(table_p, delta_arr)
    return _tc_call(delta_arr, table_p, band.reshape(_LQ, _BW // 128, 128))


def kernel(embeddings_table, length_q, length_k):
    delta = (length_k - _LK) - (length_q - _LQ)
    table_p = embeddings_table.astype(jnp.float32)
    delta_arr = jnp.full((16,), delta, dtype=jnp.int32)
    return _rel_pos(table_p, delta_arr)

# --- scband reference (transcript-rebuilt; emitter-appended) ---
"""Pipeline reference for scband-relative-position-10204842295729 (READ-ONLY COPY).

The authoritative reference and input builder live on the scoring server;
editing this copy changes nothing except your own understanding.
"""

import jax, jax.numpy as jnp
import numpy as np

MAX_REL_POS = 128
LEN_Q = 4096
LEN_K = 4096

def setup_inputs(seed: int = 0) -> dict:
    key = jax.random.key(seed)
    # learned parameter: embeddings_table, shape (2*max_relative_position + 1,)
    embeddings_table = jax.random.truncated_normal(key, -2.0, 2.0, (MAX_REL_POS * 2 + 1,), dtype=jnp.float32) * 0.01
    return {
        "embeddings_table": embeddings_table,
        "length_q": LEN_Q,
        "length_k": LEN_K,
    }

def reference(embeddings_table, length_q, length_k):
    max_relative_position = MAX_REL_POS
    range_vec_q = jnp.arange(LEN_Q) + (length_q - LEN_Q)
    range_vec_k = jnp.arange(LEN_K) + (length_k - LEN_K)
    distance_mat = range_vec_k[None, :] - range_vec_q[:, None]
    distance_mat_clipped = jnp.clip(distance_mat, -max_relative_position, max_relative_position)
    final_mat = distance_mat_clipped + max_relative_position
    final_mat = final_mat.astype(jnp.int32)
    embeddings = embeddings_table[final_mat]
    return embeddings

if __name__ == "__main__":
    import jax
    _d = setup_inputs()
    print(jax.jit(kernel)(*tuple(_d.values())))

</pallas_src>

<mosaic_0001>
#map = affine_map<(d0, d1) -> (0)>
module attributes {stable_mosaic.version = 14 : i64} {
  func.func @_sc_body(%arg0: i32, %arg1: i32, %arg2: memref<257xf32, #tpu.memory_space<hbm>>, %arg3: memref<16xi32, #tpu.memory_space<hbm>>, %arg4: memref<4194304xf32, #tpu.memory_space<hbm>>, %arg5: memref<257xf32, #tpu.memory_space<vmem>>, %arg6: memref<16xi32, #tpu.memory_space<vmem>>, %arg7: memref<5120xf32, #tpu.memory_space<vmem>>, %arg8: memref<!tpu.dma_semaphore, #tpu.memory_space<semaphore_mem>>) attributes {dimension_semantics = [#tpu.dimension_semantics<core_parallel>, #tpu.dimension_semantics<subcore_parallel>], iteration_bounds = array<i64: 2, 16>, scalar_prefetch = 0 : i64, scratch_operands = 4 : i64, tpu.core_type = #tpu.core_type<sc_vector_subcore>, window_params = [{transform_indices = #map}, {transform_indices = #map}, {transform_indices = #map}]} {
    %mul3A = arith.constant 2 : i32
    %mul3A_0 = arith.muli %arg1, %mul3A : i32
    %add3A = arith.addi %mul3A_0, %arg0 : i32
    %jit3A = arith.constant 8 : i32
    %eq3A = arith.constant 0 : i32
    %eq3A_1 = arith.cmpi eq, %jit3A, %eq3A : i32
    %jit3A_2 = arith.constant 1 : i32
    %select_n3A = arith.select %eq3A_1, %jit3A_2, %jit3A : i32
    %rem3A = arith.remsi %add3A, %select_n3A : i32
    %ne3A = arith.constant 0 : i32
    %ne3A_3 = arith.cmpi ne, %rem3A, %ne3A : i32
    %lt3A = arith.constant 0 : i32
    %lt3A_4 = arith.cmpi slt, %rem3A, %lt3A : i32
    %lt3A_5 = arith.constant 0 : i32
    %lt3A_6 = arith.cmpi slt, %select_n3A, %lt3A_5 : i32
    %ne3A_7 = arith.xori %lt3A_4, %lt3A_6 : i1
    %and3A = arith.andi %ne3A_7, %ne3A_3 : i1
    %add3A_8 = arith.addi %rem3A, %select_n3A : i32
    %select_n3A_9 = arith.select %and3A, %add3A_8, %rem3A : i32
    %jit3A_10 = arith.constant 8 : i32
    %div3A = arith.divsi %add3A, %jit3A_10 : i32
    %sign3A = arith.constant 0 : i32
    %sign3A_11 = arith.cmpi sgt, %add3A, %sign3A : i32
    %sign3A_12 = arith.extui %sign3A_11 : i1 to i32
    %sign3A_13 = arith.constant 0 : i32
    %sign3A_14 = arith.cmpi slt, %add3A, %sign3A_13 : i32
    %sign3A_15 = arith.extui %sign3A_14 : i1 to i32
    %sign3A_16 = arith.subi %sign3A_12, %sign3A_15 : i32
    %sign3A_17 = arith.constant 0 : i32
    %sign3A_18 = arith.cmpi sgt, %jit3A_10, %sign3A_17 : i32
    %sign3A_19 = arith.extui %sign3A_18 : i1 to i32
    %sign3A_20 = arith.constant 0 : i32
    %sign3A_21 = arith.cmpi slt, %jit3A_10, %sign3A_20 : i32
    %sign3A_22 = arith.extui %sign3A_21 : i1 to i32
    %sign3A_23 = arith.subi %sign3A_19, %sign3A_22 : i32
    %ne3A_24 = arith.cmpi ne, %sign3A_16, %sign3A_23 : i32
    %rem3A_25 = arith.remsi %add3A, %jit3A_10 : i32
    %ne3A_26 = arith.constant 0 : i32
    %ne3A_27 = arith.cmpi ne, %rem3A_25, %ne3A_26 : i32
    %and3A_28 = arith.andi %ne3A_24, %ne3A_27 : i1
    %sub3A = arith.constant 1 : i32
    %sub3A_29 = arith.subi %div3A, %sub3A : i32
    %select_n3A_30 = arith.select %and3A_28, %sub3A_29, %div3A : i32
    %mul3A_31 = arith.constant 128 : i32
    %mul3A_32 = arith.muli %select_n3A_30, %mul3A_31 : i32
    "tpu.region"() ({
      %run_scoped3A = tpu.sem_alloc : memref<!tpu.dma_semaphore, #tpu.memory_space<semaphore_mem>>
      tpu.enqueue_dma source(%arg2 : memref<257xf32, #tpu.memory_space<hbm>>) target(%arg5 : memref<257xf32, #tpu.memory_space<vmem>>) target_semaphore(%run_scoped3A : memref<!tpu.dma_semaphore, #tpu.memory_space<semaphore_mem>>)
      tpu.wait_dma2 semaphore(%run_scoped3A : memref<!tpu.dma_semaphore, #tpu.memory_space<semaphore_mem>>) src(%arg2 : memref<257xf32, #tpu.memory_space<hbm>>) dst(%arg5 : memref<257xf32, #tpu.memory_space<vmem>>)
      tpu.yield
    }) : () -> ()
    "tpu.region"() ({
      %run_scoped3A = tpu.sem_alloc : memref<!tpu.dma_semaphore, #tpu.memory_space<semaphore_mem>>
      tpu.enqueue_dma source(%arg3 : memref<16xi32, #tpu.memory_space<hbm>>) target(%arg6 : memref<16xi32, #tpu.memory_space<vmem>>) target_semaphore(%run_scoped3A : memref<!tpu.dma_semaphore, #tpu.memory_space<semaphore_mem>>)
      tpu.wait_dma2 semaphore(%run_scoped3A : memref<!tpu.dma_semaphore, #tpu.memory_space<semaphore_mem>>) src(%arg3 : memref<16xi32, #tpu.memory_space<hbm>>) dst(%arg6 : memref<16xi32, #tpu.memory_space<vmem>>)
      tpu.yield
    }) : () -> ()
    %get3A = arith.constant 0 : index
    %get3A_33 = tpu.vector_load %arg6[%get3A] {strides = array<i32>} : memref<16xi32, #tpu.memory_space<vmem>>, vector<16xi32>,
    %slice3A = vector.extract_strided_slice %get3A_33 {offsets = [0], sizes = [1], strides = [1]} : vector<16xi32> to vector<1xi32>
    %squeeze3A = vector.extract %slice3A[0] : i32 from vector<1xi32>
    %iota3A = tpu.iota {dimensions = array<i32: 0>} : vector<16xi32>
    %add3A_34 = arith.constant 0 : i32
    %add3A_35 = arith.addi %mul3A_32, %add3A_34 : i32
    %mul3A_36 = arith.constant 8 : i32
    %mul3A_37 = arith.muli %mul3A_36, %add3A_35 : i32
    %mul3A_38 = arith.constant 8 : i32
    %mul3A_39 = arith.muli %mul3A_38, %add3A_35 : i32
    %jit3A_40 = arith.constant 512 : i32
    %eq3A_41 = arith.constant 0 : i32
    %eq3A_42 = arith.cmpi eq, %jit3A_40, %eq3A_41 : i32
    %jit3A_43 = arith.constant 1 : i32
    %select_n3A_44 = arith.select %eq3A_42, %jit3A_43, %jit3A_40 : i32
    %rem3A_45 = arith.remsi %mul3A_39, %select_n3A_44 : i32
    %ne3A_46 = arith.constant 0 : i32
    %ne3A_47 = arith.cmpi ne, %rem3A_45, %ne3A_46 : i32
    %lt3A_48 = arith.constant 0 : i32
    %lt3A_49 = arith.cmpi slt, %rem3A_45, %lt3A_48 : i32
    %lt3A_50 = arith.constant 0 : i32
    %lt3A_51 = arith.cmpi slt, %select_n3A_44, %lt3A_50 : i32
    %ne3A_52 = arith.xori %lt3A_49, %lt3A_51 : i1
    %and3A_53 = arith.andi %ne3A_52, %ne3A_47 : i1
    %add3A_54 = arith.addi %rem3A_45, %select_n3A_44 : i32
    %select_n3A_55 = arith.select %and3A_53, %add3A_54, %rem3A_45 : i32
    %sub3A_56 = arith.subi %mul3A_37, %select_n3A_55 : i32
    %sub3A_57 = arith.subi %sub3A_56, %squeeze3A : i32
    %sub3A_58 = arith.constant 129 : i32
    %sub3A_59 = arith.subi %sub3A_57, %sub3A_58 : i32
    %shift_right_arithmetic3A = arith.constant 7 : i32
    %shift_right_arithmetic3A_60 = arith.shrsi %sub3A_59, %shift_right_arithmetic3A : i32
    %mul3A_61 = arith.constant 128 : i32
    %mul3A_62 = arith.muli %shift_right_arithmetic3A_60, %mul3A_61 : i32
    %jit3A_63 = arith.constant 0 : i32
    %jit3A_64 = arith.constant 3072 : i32
    %max3A = arith.maxsi %jit3A_63, %mul3A_62 : i32
    %min3A = arith.minsi %jit3A_64, %max3A : i32
    %sub3A_65 = arith.constant 120 : i32
    %sub3A_66 = arith.subi %min3A, %sub3A_65 : i32
    %sub3A_67 = arith.subi %sub3A_66, %select_n3A_9 : i32
    %mul3A_68 = arith.constant 8 : i32
    %mul3A_69 = arith.muli %mul3A_68, %add3A_35 : i32
    %sub3A_70 = arith.subi %sub3A_67, %mul3A_69 : i32
    %add3A_71 = vector.broadcast %sub3A_70 : i32 to vector<16xi32>
    %add3A_72 = arith.addi %iota3A, %add3A_71 : vector<16xi32>
    %add3A_73 = arith.addi %add3A_72, %get3A_33 : vector<16xi32>
    %scan3A = arith.constant 0 : i32
    %scan3A_74 = arith.constant 0 : i32
    %scan3A_75 = arith.constant 80 : i32
    %scan3A_76 = arith.addi %scan3A_74, %scan3A_75 : i32
    %scan3A_77 = arith.constant 1 : i32
    scf.for %scan3A_256 = %scan3A_74 to %scan3A_76 step %scan3A_77  : i32 {
      %mul3A_257 = arith.constant 16 : i32
      %mul3A_258 = arith.muli %scan3A_256, %mul3A_257 : i32
      %add3A_259 = vector.broadcast %mul3A_258 : i32 to vector<16xi32>
      %add3A_260 = arith.addi %add3A_73, %add3A_259 : vector<16xi32>
      %jit3A_261 = arith.constant 0 : i32
      %jit3A_262 = arith.constant 256 : i32
      %max3A_263 = vector.broadcast %jit3A_261 : i32 to vector<16xi32>
      %max3A_264 = arith.maxsi %max3A_263, %add3A_260 : vector<16xi32>
      %min3A_265 = vector.broadcast %jit3A_262 : i32 to vector<16xi32>
      %min3A_266 = arith.minsi %min3A_265, %max3A_264 : vector<16xi32>
      %gather3A = tpu.vector_load_idx %arg5[%min3A_266] : memref<257xf32, #tpu.memory_space<vmem>>[vector<16xi32>], vector<16xf32>,
      %mul3A_267 = arith.constant 16 : i32
      %mul3A_268 = arith.muli %scan3A_256, %mul3A_267 : i32
      %add3A_269 = arith.constant 0 : i32
      %add3A_270 = arith.addi %add3A_269, %mul3A_268 : i32
      %multiple_of3A = tpu.assume_multiple %add3A_270, 8 : i32
      %swap3A = arith.index_cast %multiple_of3A : i32 to index
      %swap3A_271 = tpu.vector_load %arg7[%swap3A] {strides = array<i32>} : memref<5120xf32, #tpu.memory_space<vmem>>, vector<16xf32>,
      tpu.vector_store %arg7[%swap3A], %gather3A {strides = array<i32>} : memref<5120xf32, #tpu.memory_space<vmem>>, vector<16xf32>,
    }
    %scan3A_78 = arith.constant 80 : i32
    %add3A_79 = arith.constant 32 : i32
    %add3A_80 = arith.addi %mul3A_32, %add3A_79 : i32
    %mul3A_81 = arith.constant 8 : i32
    %mul3A_82 = arith.muli %mul3A_81, %add3A_80 : i32
    %mul3A_83 = arith.constant 8 : i32
    %mul3A_84 = arith.muli %mul3A_83, %add3A_80 : i32
    %jit3A_85 = arith.constant 512 : i32
    %eq3A_86 = arith.constant 0 : i32
    %eq3A_87 = arith.cmpi eq, %jit3A_85, %eq3A_86 : i32
    %jit3A_88 = arith.constant 1 : i32
    %select_n3A_89 = arith.select %eq3A_87, %jit3A_88, %jit3A_85 : i32
    %rem3A_90 = arith.remsi %mul3A_84, %select_n3A_89 : i32
    %ne3A_91 = arith.constant 0 : i32
    %ne3A_92 = arith.cmpi ne, %rem3A_90, %ne3A_91 : i32
    %lt3A_93 = arith.constant 0 : i32
    %lt3A_94 = arith.cmpi slt, %rem3A_90, %lt3A_93 : i32
    %lt3A_95 = arith.constant 0 : i32
    %lt3A_96 = arith.cmpi slt, %select_n3A_89, %lt3A_95 : i32
    %ne3A_97 = arith.xori %lt3A_94, %lt3A_96 : i1
    %and3A_98 = arith.andi %ne3A_97, %ne3A_92 : i1
    %add3A_99 = arith.addi %rem3A_90, %select_n3A_89 : i32
    %select_n3A_100 = arith.select %and3A_98, %add3A_99, %rem3A_90 : i32
    %sub3A_101 = arith.subi %mul3A_82, %select_n3A_100 : i32
    %sub3A_102 = arith.subi %sub3A_101, %squeeze3A : i32
    %sub3A_103 = arith.constant 129 : i32
    %sub3A_104 = arith.subi %sub3A_102, %sub3A_103 : i32
    %shift_right_arithmetic3A_105 = arith.constant 7 : i32
    %shift_right_arithmetic3A_106 = arith.shrsi %sub3A_104, %shift_right_arithmetic3A_105 : i32
    %mul3A_107 = arith.constant 128 : i32
    %mul3A_108 = arith.muli %shift_right_arithmetic3A_106, %mul3A_107 : i32
    %jit3A_109 = arith.constant 0 : i32
    %jit3A_110 = arith.constant 3072 : i32
    %max3A_111 = arith.maxsi %jit3A_109, %mul3A_108 : i32
    %min3A_112 = arith.minsi %jit3A_110, %max3A_111 : i32
    %sub3A_113 = arith.constant 120 : i32
    %sub3A_114 = arith.subi %min3A_112, %sub3A_113 : i32
    %sub3A_115 = arith.subi %sub3A_114, %select_n3A_9 : i32
    %mul3A_116 = arith.constant 8 : i32
    %mul3A_117 = arith.muli %mul3A_116, %add3A_80 : i32
    %sub3A_118 = arith.subi %sub3A_115, %mul3A_117 : i32
    %add3A_119 = vector.broadcast %sub3A_118 : i32 to vector<16xi32>
    %add3A_120 = arith.addi %iota3A, %add3A_119 : vector<16xi32>
    %add3A_121 = arith.addi %add3A_120, %get3A_33 : vector<16xi32>
    %scan3A_122 = arith.constant 0 : i32
    %scan3A_123 = arith.constant 0 : i32
    %scan3A_124 = arith.constant 80 : i32
    %scan3A_125 = arith.addi %scan3A_123, %scan3A_124 : i32
    %scan3A_126 = arith.constant 1 : i32
    scf.for %scan3A_256 = %scan3A_123 to %scan3A_125 step %scan3A_126  : i32 {
      %mul3A_257 = arith.constant 16 : i32
      %mul3A_258 = arith.muli %scan3A_256, %mul3A_257 : i32
      %add3A_259 = vector.broadcast %mul3A_258 : i32 to vector<16xi32>
      %add3A_260 = arith.addi %add3A_121, %add3A_259 : vector<16xi32>
      %jit3A_261 = arith.constant 0 : i32
      %jit3A_262 = arith.constant 256 : i32
      %max3A_263 = vector.broadcast %jit3A_261 : i32 to vector<16xi32>
      %max3A_264 = arith.maxsi %max3A_263, %add3A_260 : vector<16xi32>
      %min3A_265 = vector.broadcast %jit3A_262 : i32 to vector<16xi32>
      %min3A_266 = arith.minsi %min3A_265, %max3A_264 : vector<16xi32>
      %gather3A = tpu.vector_load_idx %arg5[%min3A_266] : memref<257xf32, #tpu.memory_space<vmem>>[vector<16xi32>], vector<16xf32>,
      %mul3A_267 = arith.constant 16 : i32
      %mul3A_268 = arith.muli %scan3A_256, %mul3A_267 : i32
      %add3A_269 = arith.constant 1280 : i32
      %add3A_270 = arith.addi %add3A_269, %mul3A_268 : i32
      %multiple_of3A = tpu.assume_multiple %add3A_270, 8 : i32
      %swap3A = arith.index_cast %multiple_of3A : i32 to index
      %swap3A_271 = tpu.vector_load %arg7[%swap3A] {strides = array<i32>} : memref<5120xf32, #tpu.memory_space<vmem>>, vector<16xf32>,
      tpu.vector_store %arg7[%swap3A], %gather3A {strides = array<i32>} : memref<5120xf32, #tpu.memory_space<vmem>>, vector<16xf32>,
    }
    %scan3A_127 = arith.constant 80 : i32
    %add3A_128 = arith.constant 64 : i32
    %add3A_129 = arith.addi %mul3A_32, %add3A_128 : i32
    %mul3A_130 = arith.constant 8 : i32
    %mul3A_131 = arith.muli %mul3A_130, %add3A_129 : i32
    %mul3A_132 = arith.constant 8 : i32
    %mul3A_133 = arith.muli %mul3A_132, %add3A_129 : i32
    %jit3A_134 = arith.constant 512 : i32
    %eq3A_135 = arith.constant 0 : i32
    %eq3A_136 = arith.cmpi eq, %jit3A_134, %eq3A_135 : i32
    %jit3A_137 = arith.constant 1 : i32
    %select_n3A_138 = arith.select %eq3A_136, %jit3A_137, %jit3A_134 : i32
    %rem3A_139 = arith.remsi %mul3A_133, %select_n3A_138 : i32
    %ne3A_140 = arith.constant 0 : i32
    %ne3A_141 = arith.cmpi ne, %rem3A_139, %ne3A_140 : i32
    %lt3A_142 = arith.constant 0 : i32
    %lt3A_143 = arith.cmpi slt, %rem3A_139, %lt3A_142 : i32
    %lt3A_144 = arith.constant 0 : i32
    %lt3A_145 = arith.cmpi slt, %select_n3A_138, %lt3A_144 : i32
    %ne3A_146 = arith.xori %lt3A_143, %lt3A_145 : i1
    %and3A_147 = arith.andi %ne3A_146, %ne3A_141 : i1
    %add3A_148 = arith.addi %rem3A_139, %select_n3A_138 : i32
    %select_n3A_149 = arith.select %and3A_147, %add3A_148, %rem3A_139 : i32
    %sub3A_150 = arith.subi %mul3A_131, %select_n3A_149 : i32
    %sub3A_151 = arith.subi %sub3A_150, %squeeze3A : i32
    %sub3A_152 = arith.constant 129 : i32
    %sub3A_153 = arith.subi %sub3A_151, %sub3A_152 : i32
    %shift_right_arithmetic3A_154 = arith.constant 7 : i32
    %shift_right_arithmetic3A_155 = arith.shrsi %sub3A_153, %shift_right_arithmetic3A_154 : i32
    %mul3A_156 = arith.constant 128 : i32
    %mul3A_157 = arith.muli %shift_right_arithmetic3A_155, %mul3A_156 : i32
    %jit3A_158 = arith.constant 0 : i32
    %jit3A_159 = arith.constant 3072 : i32
    %max3A_160 = arith.maxsi %jit3A_158, %mul3A_157 : i32
    %min3A_161 = arith.minsi %jit3A_159, %max3A_160 : i32
    %sub3A_162 = arith.constant 120 : i32
    %sub3A_163 = arith.subi %min3A_161, %sub3A_162 : i32
    %sub3A_164 = arith.subi %sub3A_163, %select_n3A_9 : i32
    %mul3A_165 = arith.constant 8 : i32
    %mul3A_166 = arith.muli %mul3A_165, %add3A_129 : i32
    %sub3A_167 = arith.subi %sub3A_164, %mul3A_166 : i32
    %add3A_168 = vector.broadcast %sub3A_167 : i32 to vector<16xi32>
    %add3A_169 = arith.addi %iota3A, %add3A_168 : vector<16xi32>
    %add3A_170 = arith.addi %add3A_169, %get3A_33 : vector<16xi32>
    %scan3A_171 = arith.constant 0 : i32
    %scan3A_172 = arith.constant 0 : i32
    %scan3A_173 = arith.constant 80 : i32
    %scan3A_174 = arith.addi %scan3A_172, %scan3A_173 : i32
    %scan3A_175 = arith.constant 1 : i32
    scf.for %scan3A_256 = %scan3A_172 to %scan3A_174 step %scan3A_175  : i32 {
      %mul3A_257 = arith.constant 16 : i32
      %mul3A_258 = arith.muli %scan3A_256, %mul3A_257 : i32
      %add3A_259 = vector.broadcast %mul3A_258 : i32 to vector<16xi32>
      %add3A_260 = arith.addi %add3A_170, %add3A_259 : vector<16xi32>
      %jit3A_261 = arith.constant 0 : i32
      %jit3A_262 = arith.constant 256 : i32
      %max3A_263 = vector.broadcast %jit3A_261 : i32 to vector<16xi32>
      %max3A_264 = arith.maxsi %max3A_263, %add3A_260 : vector<16xi32>
      %min3A_265 = vector.broadcast %jit3A_262 : i32 to vector<16xi32>
      %min3A_266 = arith.minsi %min3A_265, %max3A_264 : vector<16xi32>
      %gather3A = tpu.vector_load_idx %arg5[%min3A_266] : memref<257xf32, #tpu.memory_space<vmem>>[vector<16xi32>], vector<16xf32>,
      %mul3A_267 = arith.constant 16 : i32
      %mul3A_268 = arith.muli %scan3A_256, %mul3A_267 : i32
      %add3A_269 = arith.constant 2560 : i32
      %add3A_270 = arith.addi %add3A_269, %mul3A_268 : i32
      %multiple_of3A = tpu.assume_multiple %add3A_270, 8 : i32
      %swap3A = arith.index_cast %multiple_of3A : i32 to index
      %swap3A_271 = tpu.vector_load %arg7[%swap3A] {strides = array<i32>} : memref<5120xf32, #tpu.memory_space<vmem>>, vector<16xf32>,
      tpu.vector_store %arg7[%swap3A], %gather3A {strides = array<i32>} : memref<5120xf32, #tpu.memory_space<vmem>>, vector<16xf32>,
    }
    %scan3A_176 = arith.constant 80 : i32
    %add3A_177 = arith.constant 96 : i32
    %add3A_178 = arith.addi %mul3A_32, %add3A_177 : i32
    %mul3A_179 = arith.constant 8 : i32
    %mul3A_180 = arith.muli %mul3A_179, %add3A_178 : i32
    %mul3A_181 = arith.constant 8 : i32
    %mul3A_182 = arith.muli %mul3A_181, %add3A_178 : i32
    %jit3A_183 = arith.constant 512 : i32
    %eq3A_184 = arith.constant 0 : i32
    %eq3A_185 = arith.cmpi eq, %jit3A_183, %eq3A_184 : i32
    %jit3A_186 = arith.constant 1 : i32
    %select_n3A_187 = arith.select %eq3A_185, %jit3A_186, %jit3A_183 : i32
    %rem3A_188 = arith.remsi %mul3A_182, %select_n3A_187 : i32
    %ne3A_189 = arith.constant 0 : i32
    %ne3A_190 = arith.cmpi ne, %rem3A_188, %ne3A_189 : i32
    %lt3A_191 = arith.constant 0 : i32
    %lt3A_192 = arith.cmpi slt, %rem3A_188, %lt3A_191 : i32
    %lt3A_193 = arith.constant 0 : i32
    %lt3A_194 = arith.cmpi slt, %select_n3A_187, %lt3A_193 : i32
    %ne3A_195 = arith.xori %lt3A_192, %lt3A_194 : i1
    %and3A_196 = arith.andi %ne3A_195, %ne3A_190 : i1
    %add3A_197 = arith.addi %rem3A_188, %select_n3A_187 : i32
    %select_n3A_198 = arith.select %and3A_196, %add3A_197, %rem3A_188 : i32
    %sub3A_199 = arith.subi %mul3A_180, %select_n3A_198 : i32
    %sub3A_200 = arith.subi %sub3A_199, %squeeze3A : i32
    %sub3A_201 = arith.constant 129 : i32
    %sub3A_202 = arith.subi %sub3A_200, %sub3A_201 : i32
    %shift_right_arithmetic3A_203 = arith.constant 7 : i32
    %shift_right_arithmetic3A_204 = arith.shrsi %sub3A_202, %shift_right_arithmetic3A_203 : i32
    %mul3A_205 = arith.constant 128 : i32
    %mul3A_206 = arith.muli %shift_right_arithmetic3A_204, %mul3A_205 : i32
    %jit3A_207 = arith.constant 0 : i32
    %jit3A_208 = arith.constant 3072 : i32
    %max3A_209 = arith.maxsi %jit3A_207, %mul3A_206 : i32
    %min3A_210 = arith.minsi %jit3A_208, %max3A_209 : i32
    %sub3A_211 = arith.constant 120 : i32
    %sub3A_212 = arith.subi %min3A_210, %sub3A_211 : i32
    %sub3A_213 = arith.subi %sub3A_212, %select_n3A_9 : i32
    %mul3A_214 = arith.constant 8 : i32
    %mul3A_215 = arith.muli %mul3A_214, %add3A_178 : i32
    %sub3A_216 = arith.subi %sub3A_213, %mul3A_215 : i32
    %add3A_217 = vector.broadcast %sub3A_216 : i32 to vector<16xi32>
    %add3A_218 = arith.addi %iota3A, %add3A_217 : vector<16xi32>
    %add3A_219 = arith.addi %add3A_218, %get3A_33 : vector<16xi32>
    %scan3A_220 = arith.constant 0 : i32
    %scan3A_221 = arith.constant 0 : i32
    %scan3A_222 = arith.constant 80 : i32
    %scan3A_223 = arith.addi %scan3A_221, %scan3A_222 : i32
    %scan3A_224 = arith.constant 1 : i32
    scf.for %scan3A_256 = %scan3A_221 to %scan3A_223 step %scan3A_224  : i32 {
      %mul3A_257 = arith.constant 16 : i32
      %mul3A_258 = arith.muli %scan3A_256, %mul3A_257 : i32
      %add3A_259 = vector.broadcast %mul3A_258 : i32 to vector<16xi32>
      %add3A_260 = arith.addi %add3A_219, %add3A_259 : vector<16xi32>
      %jit3A_261 = arith.constant 0 : i32
      %jit3A_262 = arith.constant 256 : i32
      %max3A_263 = vector.broadcast %jit3A_261 : i32 to vector<16xi32>
      %max3A_264 = arith.maxsi %max3A_263, %add3A_260 : vector<16xi32>
      %min3A_265 = vector.broadcast %jit3A_262 : i32 to vector<16xi32>
      %min3A_266 = arith.minsi %min3A_265, %max3A_264 : vector<16xi32>
      %gather3A = tpu.vector_load_idx %arg5[%min3A_266] : memref<257xf32, #tpu.memory_space<vmem>>[vector<16xi32>], vector<16xf32>,
      %mul3A_267 = arith.constant 16 : i32
      %mul3A_268 = arith.muli %scan3A_256, %mul3A_267 : i32
      %add3A_269 = arith.constant 3840 : i32
      %add3A_270 = arith.addi %add3A_269, %mul3A_268 : i32
      %multiple_of3A = tpu.assume_multiple %add3A_270, 8 : i32
      %swap3A = arith.index_cast %multiple_of3A : i32 to index
      %swap3A_271 = tpu.vector_load %arg7[%swap3A] {strides = array<i32>} : memref<5120xf32, #tpu.memory_space<vmem>>, vector<16xf32>,
      tpu.vector_store %arg7[%swap3A], %gather3A {strides = array<i32>} : memref<5120xf32, #tpu.memory_space<vmem>>, vector<16xf32>,
    }
    %scan3A_225 = arith.constant 80 : i32
    %scan3A_226 = arith.constant 0 : i32
    %scan3A_227 = arith.constant 0 : i32
    %scan3A_228 = arith.constant 4 : i32
    %scan3A_229 = arith.addi %scan3A_227, %scan3A_228 : i32
    %scan3A_230 = arith.constant 1 : i32
    scf.for %scan3A_256 = %scan3A_227 to %scan3A_229 step %scan3A_230  : i32 {
      %mul3A_257 = arith.constant 64 : i32
      %mul3A_258 = arith.muli %mul3A_257, %scan3A_256 : i32
      %sub3A_259 = arith.constant 248 : i32
      %sub3A_260 = arith.subi %sub3A_259, %mul3A_258 : i32
      %sub3A_261 = arith.constant 0 : i32
      %sub3A_262 = arith.subi %sub3A_260, %sub3A_261 : i32
      %multiple_of3A = tpu.assume_multiple %sub3A_262, 8 : i32
      %add3A_263 = arith.constant 0 : i32
      %add3A_264 = arith.addi %mul3A_32, %add3A_263 : i32
      %mul3A_265 = arith.constant 8 : i32
      %mul3A_266 = arith.muli %mul3A_265, %scan3A_256 : i32
      %add3A_267 = arith.addi %add3A_264, %mul3A_266 : i32
      %add3A_268 = arith.constant 0 : i32
      %add3A_269 = arith.addi %add3A_267, %add3A_268 : i32
      %mul3A_270 = arith.constant 8 : i32
      %mul3A_271 = arith.muli %mul3A_270, %add3A_269 : i32
      %add3A_272 = arith.addi %select_n3A_9, %mul3A_271 : i32
      %mul3A_273 = arith.constant 1024 : i32
      %mul3A_274 = arith.muli %add3A_272, %mul3A_273 : i32
      %multiple_of3A_275 = tpu.assume_multiple %mul3A_274, 8 : i32
      %dma_start3A = tpu.memref_slice %arg7[%multiple_of3A] : memref<5120xf32, #tpu.memory_space<vmem>> -> memref<1024xf32, #tpu.memory_space<vmem>>
      %dma_start3A_276 = tpu.memref_slice %arg4[%multiple_of3A_275] : memref<4194304xf32, #tpu.memory_space<hbm>> -> memref<1024xf32, #tpu.memory_space<hbm>>
      %dma_start3A_277 = tpu.memref_slice %arg4[%multiple_of3A_275] : memref<4194304xf32, #tpu.memory_space<hbm>> -> memref<1024xf32, #tpu.memory_space<hbm>>
      %dma_start3A_278 = tpu.memref_slice %arg7[%multiple_of3A] : memref<5120xf32, #tpu.memory_space<vmem>> -> memref<1024xf32, #tpu.memory_space<vmem>>
      tpu.enqueue_dma source(%dma_start3A_278 : memref<1024xf32, #tpu.memory_space<vmem>>) target(%dma_start3A_277 : memref<1024xf32, #tpu.memory_space<hbm>>) target_semaphore(%arg8 : memref<!tpu.dma_semaphore, #tpu.memory_space<semaphore_mem>>)
      %mul3A_279 = arith.constant 64 : i32
      %mul3A_280 = arith.muli %mul3A_279, %scan3A_256 : i32
      %sub3A_281 = arith.constant 248 : i32
      %sub3A_282 = arith.subi %sub3A_281, %mul3A_280 : i32
      %sub3A_283 = arith.constant 8 : i32
      %sub3A_284 = arith.subi %sub3A_282, %sub3A_283 : i32
      %multiple_of3A_285 = tpu.assume_multiple %sub3A_284, 8 : i32
      %add3A_286 = arith.constant 0 : i32
      %add3A_287 = arith.addi %mul3A_32, %add3A_286 : i32
      %mul3A_288 = arith.constant 8 : i32
      %mul3A_289 = arith.muli %mul3A_288, %scan3A_256 : i32
      %add3A_290 = arith.addi %add3A_287, %mul3A_289 : i32
      %add3A_291 = arith.constant 1 : i32
      %add3A_292 = arith.addi %add3A_290, %add3A_291 : i32
      %mul3A_293 = arith.constant 8 : i32
      %mul3A_294 = arith.muli %mul3A_293, %add3A_292 : i32
      %add3A_295 = arith.addi %select_n3A_9, %mul3A_294 : i32
      %mul3A_296 = arith.constant 1024 : i32
      %mul3A_297 = arith.muli %add3A_295, %mul3A_296 : i32
      %multiple_of3A_298 = tpu.assume_multiple %mul3A_297, 8 : i32
      %dma_start3A_299 = tpu.memref_slice %arg7[%multiple_of3A_285] : memref<5120xf32, #tpu.memory_space<vmem>> -> memref<1024xf32, #tpu.memory_space<vmem>>
      %dma_start3A_300 = tpu.memref_slice %arg4[%multiple_of3A_298] : memref<4194304xf32, #tpu.memory_space<hbm>> -> memref<1024xf32, #tpu.memory_space<hbm>>
      %dma_start3A_301 = tpu.memref_slice %arg4[%multiple_of3A_298] : memref<4194304xf32, #tpu.memory_space<hbm>> -> memref<1024xf32, #tpu.memory_space<hbm>>
      %dma_start3A_302 = tpu.memref_slice %arg7[%multiple_of3A_285] : memref<5120xf32, #tpu.memory_space<vmem>> -> memref<1024xf32, #tpu.memory_space<vmem>>
      tpu.enqueue_dma source(%dma_start3A_302 : memref<1024xf32, #tpu.memory_space<vmem>>) target(%dma_start3A_301 : memref<1024xf32, #tpu.memory_space<hbm>>) target_semaphore(%arg8 : memref<!tpu.dma_semaphore, #tpu.memory_space<semaphore_mem>>)
      %mul3A_303 = arith.constant 64 : i32
      %mul3A_304 = arith.muli %mul3A_303, %scan3A_256 : i32
      %sub3A_305 = arith.constant 248 : i32
      %sub3A_306 = arith.subi %sub3A_305, %mul3A_304 : i32
      %sub3A_307 = arith.constant 16 : i32
      %sub3A_308 = arith.subi %sub3A_306, %sub3A_307 : i32
      %multiple_of3A_309 = tpu.assume_multiple %sub3A_308, 8 : i32
      %add3A_310 = arith.constant 0 : i32
      %add3A_311 = arith.addi %mul3A_32, %add3A_310 : i32
      %mul3A_312 = arith.constant 8 : i32
      %mul3A_313 = arith.muli %mul3A_312, %scan3A_256 : i32
      %add3A_314 = arith.addi %add3A_311, %mul3A_313 : i32
      %add3A_315 = arith.constant 2 : i32
      %add3A_316 = arith.addi %add3A_314, %add3A_315 : i32
      %mul3A_317 = arith.constant 8 : i32
      %mul3A_318 = arith.muli %mul3A_317, %add3A_316 : i32
      %add3A_319 = arith.addi %select_n3A_9, %mul3A_318 : i32
      %mul3A_320 = arith.constant 1024 : i32
      %mul3A_321 = arith.muli %add3A_319, %mul3A_320 : i32
      %multiple_of3A_322 = tpu.assume_multiple %mul3A_321, 8 : i32
      %dma_start3A_323 = tpu.memref_slice %arg7[%multiple_of3A_309] : memref<5120xf32, #tpu.memory_space<vmem>> -> memref<1024xf32, #tpu.memory_space<vmem>>
      %dma_start3A_324 = tpu.memref_slice %arg4[%multiple_of3A_322] : memref<4194304xf32, #tpu.memory_space<hbm>> -> memref<1024xf32, #tpu.memory_space<hbm>>
      %dma_start3A_325 = tpu.memref_slice %arg4[%multiple_of3A_322] : memref<4194304xf32, #tpu.memory_space<hbm>> -> memref<1024xf32, #tpu.memory_space<hbm>>
      %dma_start3A_326 = tpu.memref_slice %arg7[%multiple_of3A_309] : memref<5120xf32, #tpu.memory_space<vmem>> -> memref<1024xf32, #tpu.memory_space<vmem>>
      tpu.enqueue_dma source(%dma_start3A_326 : memref<1024xf32, #tpu.memory_space<vmem>>) target(%dma_start3A_325 : memref<1024xf32, #tpu.memory_space<hbm>>) target_semaphore(%arg8 : memref<!tpu.dma_semaphore, #tpu.memory_space<semaphore_mem>>)
      %mul3A_327 = arith.constant 64 : i32
      %mul3A_328 = arith.muli %mul3A_327, %scan3A_256 : i32
      %sub3A_329 = arith.constant 248 : i32
      %sub3A_330 = arith.subi %sub3A_329, %mul3A_328 : i32
      %sub3A_331 = arith.constant 24 : i32
      %sub3A_332 = arith.subi %sub3A_330, %sub3A_331 : i32
      %multiple_of3A_333 = tpu.assume_multiple %sub3A_332, 8 : i32
      %add3A_334 = arith.constant 0 : i32
      %add3A_335 = arith.addi %mul3A_32, %add3A_334 : i32
      %mul3A_336 = arith.constant 8 : i32
      %mul3A_337 = arith.muli %mul3A_336, %scan3A_256 : i32
      %add3A_338 = arith.addi %add3A_335, %mul3A_337 : i32
      %add3A_339 = arith.constant 3 : i32
      %add3A_340 = arith.addi %add3A_338, %add3A_339 : i32
      %mul3A_341 = arith.constant 8 : i32
      %mul3A_342 = arith.muli %mul3A_341, %add3A_340 : i32
      %add3A_343 = arith.addi %select_n3A_9, %mul3A_342 : i32
      %mul3A_344 = arith.constant 1024 : i32
      %mul3A_345 = arith.muli %add3A_343, %mul3A_344 : i32
      %multiple_of3A_346 = tpu.assume_multiple %mul3A_345, 8 : i32
      %dma_start3A_347 = tpu.memref_slice %arg7[%multiple_of3A_333] : memref<5120xf32, #tpu.memory_space<vmem>> -> memref<1024xf32, #tpu.memory_space<vmem>>
      %dma_start3A_348 = tpu.memref_slice %arg4[%multiple_of3A_346] : memref<4194304xf32, #tpu.memory_space<hbm>> -> memref<1024xf32, #tpu.memory_space<hbm>>
      %dma_start3A_349 = tpu.memref_slice %arg4[%multiple_of3A_346] : memref<4194304xf32, #tpu.memory_space<hbm>> -> memref<1024xf32, #tpu.memory_space<hbm>>
      %dma_start3A_350 = tpu.memref_slice %arg7[%multiple_of3A_333] : memref<5120xf32, #tpu.memory_space<vmem>> -> memref<1024xf32, #tpu.memory_space<vmem>>
      tpu.enqueue_dma source(%dma_start3A_350 : memref<1024xf32, #tpu.memory_space<vmem>>) target(%dma_start3A_349 : memref<1024xf32, #tpu.memory_space<hbm>>) target_semaphore(%arg8 : memref<!tpu.dma_semaphore, #tpu.memory_space<semaphore_mem>>)
      %mul3A_351 = arith.constant 64 : i32
      %mul3A_352 = arith.muli %mul3A_351, %scan3A_256 : i32
      %sub3A_353 = arith.constant 248 : i32
      %sub3A_354 = arith.subi %sub3A_353, %mul3A_352 : i32
      %sub3A_355 = arith.constant 32 : i32
      %sub3A_356 = arith.subi %sub3A_354, %sub3A_355 : i32
      %multiple_of3A_357 = tpu.assume_multiple %sub3A_356, 8 : i32
      %add3A_358 = arith.constant 0 : i32
      %add3A_359 = arith.addi %mul3A_32, %add3A_358 : i32
      %mul3A_360 = arith.constant 8 : i32
      %mul3A_361 = arith.muli %mul3A_360, %scan3A_256 : i32
      %add3A_362 = arith.addi %add3A_359, %mul3A_361 : i32
      %add3A_363 = arith.constant 4 : i32
      %add3A_364 = arith.addi %add3A_362, %add3A_363 : i32
      %mul3A_365 = arith.constant 8 : i32
      %mul3A_366 = arith.muli %mul3A_365, %add3A_364 : i32
      %add3A_367 = arith.addi %select_n3A_9, %mul3A_366 : i32
      %mul3A_368 = arith.constant 1024 : i32
      %mul3A_369 = arith.muli %add3A_367, %mul3A_368 : i32
      %multiple_of3A_370 = tpu.assume_multiple %mul3A_369, 8 : i32
      %dma_start3A_371 = tpu.memref_slice %arg7[%multiple_of3A_357] : memref<5120xf32, #tpu.memory_space<vmem>> -> memref<1024xf32, #tpu.memory_space<vmem>>
      %dma_start3A_372 = tpu.memref_slice %arg4[%multiple_of3A_370] : memref<4194304xf32, #tpu.memory_space<hbm>> -> memref<1024xf32, #tpu.memory_space<hbm>>
      %dma_start3A_373 = tpu.memref_slice %arg4[%multiple_of3A_370] : memref<4194304xf32, #tpu.memory_space<hbm>> -> memref<1024xf32, #tpu.memory_space<hbm>>
      %dma_start3A_374 = tpu.memref_slice %arg7[%multiple_of3A_357] : memref<5120xf32, #tpu.memory_space<vmem>> -> memref<1024xf32, #tpu.memory_space<vmem>>
      tpu.enqueue_dma source(%dma_start3A_374 : memref<1024xf32, #tpu.memory_space<vmem>>) target(%dma_start3A_373 : memref<1024xf32, #tpu.memory_space<hbm>>) target_semaphore(%arg8 : memref<!tpu.dma_semaphore, #tpu.memory_space<semaphore_mem>>)
      %mul3A_375 = arith.constant 64 : i32
      %mul3A_376 = arith.muli %mul3A_375, %scan3A_256 : i32
      %sub3A_377 = arith.constant 248 : i32
      %sub3A_378 = arith.subi %sub3A_377, %mul3A_376 : i32
      %sub3A_379 = arith.constant 40 : i32
      %sub3A_380 = arith.subi %sub3A_378, %sub3A_379 : i32
      %multiple_of3A_381 = tpu.assume_multiple %sub3A_380, 8 : i32
      %add3A_382 = arith.constant 0 : i32
      %add3A_383 = arith.addi %mul3A_32, %add3A_382 : i32
      %mul3A_384 = arith.constant 8 : i32
      %mul3A_385 = arith.muli %mul3A_384, %scan3A_256 : i32
      %add3A_386 = arith.addi %add3A_383, %mul3A_385 : i32
      %add3A_387 = arith.constant 5 : i32
      %add3A_388 = arith.addi %add3A_386, %add3A_387 : i32
      %mul3A_389 = arith.constant 8 : i32
      %mul3A_390 = arith.muli %mul3A_389, %add3A_388 : i32
      %add3A_391 = arith.addi %select_n3A_9, %mul3A_390 : i32
      %mul3A_392 = arith.constant 1024 : i32
      %mul3A_393 = arith.muli %add3A_391, %mul3A_392 : i32
      %multiple_of3A_394 = tpu.assume_multiple %mul3A_393, 8 : i32
      %dma_start3A_395 = tpu.memref_slice %arg7[%multiple_of3A_381] : memref<5120xf32, #tpu.memory_space<vmem>> -> memref<1024xf32, #tpu.memory_space<vmem>>
      %dma_start3A_396 = tpu.memref_slice %arg4[%multiple_of3A_394] : memref<4194304xf32, #tpu.memory_space<hbm>> -> memref<1024xf32, #tpu.memory_space<hbm>>
      %dma_start3A_397 = tpu.memref_slice %arg4[%multiple_of3A_394] : memref<4194304xf32, #tpu.memory_space<hbm>> -> memref<1024xf32, #tpu.memory_space<hbm>>
      %dma_start3A_398 = tpu.memref_slice %arg7[%multiple_of3A_381] : memref<5120xf32, #tpu.memory_space<vmem>> -> memref<1024xf32, #tpu.memory_space<vmem>>
      tpu.enqueue_dma source(%dma_start3A_398 : memref<1024xf32, #tpu.memory_space<vmem>>) target(%dma_start3A_397 : memref<1024xf32, #tpu.memory_space<hbm>>) target_semaphore(%arg8 : memref<!tpu.dma_semaphore, #tpu.memory_space<semaphore_mem>>)
      %mul3A_399 = arith.constant 64 : i32
      %mul3A_400 = arith.muli %mul3A_399, %scan3A_256 : i32
      %sub3A_401 = arith.constant 248 : i32
      %sub3A_402 = arith.subi %sub3A_401, %mul3A_400 : i32
      %sub3A_403 = arith.constant 48 : i32
      %sub3A_404 = arith.subi %sub3A_402, %sub3A_403 : i32
      %multiple_of3A_405 = tpu.assume_multiple %sub3A_404, 8 : i32
      %add3A_406 = arith.constant 0 : i32
      %add3A_407 = arith.addi %mul3A_32, %add3A_406 : i32
      %mul3A_408 = arith.constant 8 : i32
      %mul3A_409 = arith.muli %mul3A_408, %scan3A_256 : i32
      %add3A_410 = arith.addi %add3A_407, %mul3A_409 : i32
      %add3A_411 = arith.constant 6 : i32
      %add3A_412 = arith.addi %add3A_410, %add3A_411 : i32
      %mul3A_413 = arith.constant 8 : i32
      %mul3A_414 = arith.muli %mul3A_413, %add3A_412 : i32
      %add3A_415 = arith.addi %select_n3A_9, %mul3A_414 : i32
      %mul3A_416 = arith.constant 1024 : i32
      %mul3A_417 = arith.muli %add3A_415, %mul3A_416 : i32
      %multiple_of3A_418 = tpu.assume_multiple %mul3A_417, 8 : i32
      %dma_start3A_419 = tpu.memref_slice %arg7[%multiple_of3A_405] : memref<5120xf32, #tpu.memory_space<vmem>> -> memref<1024xf32, #tpu.memory_space<vmem>>
      %dma_start3A_420 = tpu.memref_slice %arg4[%multiple_of3A_418] : memref<4194304xf32, #tpu.memory_space<hbm>> -> memref<1024xf32, #tpu.memory_space<hbm>>
      %dma_start3A_421 = tpu.memref_slice %arg4[%multiple_of3A_418] : memref<4194304xf32, #tpu.memory_space<hbm>> -> memref<1024xf32, #tpu.memory_space<hbm>>
      %dma_start3A_422 = tpu.memref_slice %arg7[%multiple_of3A_405] : memref<5120xf32, #tpu.memory_space<vmem>> -> memref<1024xf32, #tpu.memory_space<vmem>>
      tpu.enqueue_dma source(%dma_start3A_422 : memref<1024xf32, #tpu.memory_space<vmem>>) target(%dma_start3A_421 : memref<1024xf32, #tpu.memory_space<hbm>>) target_semaphore(%arg8 : memref<!tpu.dma_semaphore, #tpu.memory_space<semaphore_mem>>)
      %mul3A_423 = arith.constant 64 : i32
      %mul3A_424 = arith.muli %mul3A_423, %scan3A_256 : i32
      %sub3A_425 = arith.constant 248 : i32
      %sub3A_426 = arith.subi %sub3A_425, %mul3A_424 : i32
      %sub3A_427 = arith.constant 56 : i32
      %sub3A_428 = arith.subi %sub3A_426, %sub3A_427 : i32
      %multiple_of3A_429 = tpu.assume_multiple %sub3A_428, 8 : i32
      %add3A_430 = arith.constant 0 : i32
      %add3A_431 = arith.addi %mul3A_32, %add3A_430 : i32
      %mul3A_432 = arith.constant 8 : i32
      %mul3A_433 = arith.muli %mul3A_432, %scan3A_256 : i32
      %add3A_434 = arith.addi %add3A_431, %mul3A_433 : i32
      %add3A_435 = arith.constant 7 : i32
      %add3A_436 = arith.addi %add3A_434, %add3A_435 : i32
      %mul3A_437 = arith.constant 8 : i32
      %mul3A_438 = arith.muli %mul3A_437, %add3A_436 : i32
      %add3A_439 = arith.addi %select_n3A_9, %mul3A_438 : i32
      %mul3A_440 = arith.constant 1024 : i32
      %mul3A_441 = arith.muli %add3A_439, %mul3A_440 : i32
      %multiple_of3A_442 = tpu.assume_multiple %mul3A_441, 8 : i32
      %dma_start3A_443 = tpu.memref_slice %arg7[%multiple_of3A_429] : memref<5120xf32, #tpu.memory_space<vmem>> -> memref<1024xf32, #tpu.memory_space<vmem>>
      %dma_start3A_444 = tpu.memref_slice %arg4[%multiple_of3A_442] : memref<4194304xf32, #tpu.memory_space<hbm>> -> memref<1024xf32, #tpu.memory_space<hbm>>
      %dma_start3A_445 = tpu.memref_slice %arg4[%multiple_of3A_442] : memref<4194304xf32, #tpu.memory_space<hbm>> -> memref<1024xf32, #tpu.memory_space<hbm>>
      %dma_start3A_446 = tpu.memref_slice %arg7[%multiple_of3A_429] : memref<5120xf32, #tpu.memory_space<vmem>> -> memref<1024xf32, #tpu.memory_space<vmem>>
      tpu.enqueue_dma source(%dma_start3A_446 : memref<1024xf32, #tpu.memory_space<vmem>>) target(%dma_start3A_445 : memref<1024xf32, #tpu.memory_space<hbm>>) target_semaphore(%arg8 : memref<!tpu.dma_semaphore, #tpu.memory_space<semaphore_mem>>)
    }
    %scan3A_231 = arith.constant 4 : i32
    %scan3A_232 = arith.constant 0 : i32
    %scan3A_233 = arith.constant 0 : i32
    %scan3A_234 = arith.constant 4 : i32
    %scan3A_235 = arith.addi %scan3A_233, %scan3A_234 : i32
    %scan3A_236 = arith.constant 1 : i32
    scf.for %scan3A_256 = %scan3A_233 to %scan3A_235 step %scan3A_236  : i32 {
      %mul3A_257 = arith.constant 64 : i32
      %mul3A_258 = arith.muli %mul3A_257, %scan3A_256 : i32
      %sub3A_259 = arith.constant 1528 : i32
      %sub3A_260 = arith.subi %sub3A_259, %mul3A_258 : i32
      %sub3A_261 = arith.constant 0 : i32
      %sub3A_262 = arith.subi %sub3A_260, %sub3A_261 : i32
      %multiple_of3A = tpu.assume_multiple %sub3A_262, 8 : i32
      %add3A_263 = arith.constant 32 : i32
      %add3A_264 = arith.addi %mul3A_32, %add3A_263 : i32
      %mul3A_265 = arith.constant 8 : i32
      %mul3A_266 = arith.muli %mul3A_265, %scan3A_256 : i32
      %add3A_267 = arith.addi %add3A_264, %mul3A_266 : i32
      %add3A_268 = arith.constant 0 : i32
      %add3A_269 = arith.addi %add3A_267, %add3A_268 : i32
      %mul3A_270 = arith.constant 8 : i32
      %mul3A_271 = arith.muli %mul3A_270, %add3A_269 : i32
      %add3A_272 = arith.addi %select_n3A_9, %mul3A_271 : i32
      %mul3A_273 = arith.constant 1024 : i32
      %mul3A_274 = arith.muli %add3A_272, %mul3A_273 : i32
      %multiple_of3A_275 = tpu.assume_multiple %mul3A_274, 8 : i32
      %dma_start3A = tpu.memref_slice %arg7[%multiple_of3A] : memref<5120xf32, #tpu.memory_space<vmem>> -> memref<1024xf32, #tpu.memory_space<vmem>>
      %dma_start3A_276 = tpu.memref_slice %arg4[%multiple_of3A_275] : memref<4194304xf32, #tpu.memory_space<hbm>> -> memref<1024xf32, #tpu.memory_space<hbm>>
      %dma_start3A_277 = tpu.memref_slice %arg4[%multiple_of3A_275] : memref<4194304xf32, #tpu.memory_space<hbm>> -> memref<1024xf32, #tpu.memory_space<hbm>>
      %dma_start3A_278 = tpu.memref_slice %arg7[%multiple_of3A] : memref<5120xf32, #tpu.memory_space<vmem>> -> memref<1024xf32, #tpu.memory_space<vmem>>
      tpu.enqueue_dma source(%dma_start3A_278 : memref<1024xf32, #tpu.memory_space<vmem>>) target(%dma_start3A_277 : memref<1024xf32, #tpu.memory_space<hbm>>) target_semaphore(%arg8 : memref<!tpu.dma_semaphore, #tpu.memory_space<semaphore_mem>>)
      %mul3A_279 = arith.constant 64 : i32
      %mul3A_280 = arith.muli %mul3A_279, %scan3A_256 : i32
      %sub3A_281 = arith.constant 1528 : i32
      %sub3A_282 = arith.subi %sub3A_281, %mul3A_280 : i32
      %sub3A_283 = arith.constant 8 : i32
      %sub3A_284 = arith.subi %sub3A_282, %sub3A_283 : i32
      %multiple_of3A_285 = tpu.assume_multiple %sub3A_284, 8 : i32
      %add3A_286 = arith.constant 32 : i32
      %add3A_287 = arith.addi %mul3A_32, %add3A_286 : i32
      %mul3A_288 = arith.constant 8 : i32
      %mul3A_289 = arith.muli %mul3A_288, %scan3A_256 : i32
      %add3A_290 = arith.addi %add3A_287, %mul3A_289 : i32
      %add3A_291 = arith.constant 1 : i32
      %add3A_292 = arith.addi %add3A_290, %add3A_291 : i32
      %mul3A_293 = arith.constant 8 : i32
      %mul3A_294 = arith.muli %mul3A_293, %add3A_292 : i32
      %add3A_295 = arith.addi %select_n3A_9, %mul3A_294 : i32
      %mul3A_296 = arith.constant 1024 : i32
      %mul3A_297 = arith.muli %add3A_295, %mul3A_296 : i32
      %multiple_of3A_298 = tpu.assume_multiple %mul3A_297, 8 : i32
      %dma_start3A_299 = tpu.memref_slice %arg7[%multiple_of3A_285] : memref<5120xf32, #tpu.memory_space<vmem>> -> memref<1024xf32, #tpu.memory_space<vmem>>
      %dma_start3A_300 = tpu.memref_slice %arg4[%multiple_of3A_298] : memref<4194304xf32, #tpu.memory_space<hbm>> -> memref<1024xf32, #tpu.memory_space<hbm>>
      %dma_start3A_301 = tpu.memref_slice %arg4[%multiple_of3A_298] : memref<4194304xf32, #tpu.memory_space<hbm>> -> memref<1024xf32, #tpu.memory_space<hbm>>
      %dma_start3A_302 = tpu.memref_slice %arg7[%multiple_of3A_285] : memref<5120xf32, #tpu.memory_space<vmem>> -> memref<1024xf32, #tpu.memory_space<vmem>>
      tpu.enqueue_dma source(%dma_start3A_302 : memref<1024xf32, #tpu.memory_space<vmem>>) target(%dma_start3A_301 : memref<1024xf32, #tpu.memory_space<hbm>>) target_semaphore(%arg8 : memref<!tpu.dma_semaphore, #tpu.memory_space<semaphore_mem>>)
      %mul3A_303 = arith.constant 64 : i32
      %mul3A_304 = arith.muli %mul3A_303, %scan3A_256 : i32
      %sub3A_305 = arith.constant 1528 : i32
      %sub3A_306 = arith.subi %sub3A_305, %mul3A_304 : i32
      %sub3A_307 = arith.constant 16 : i32
      %sub3A_308 = arith.subi %sub3A_306, %sub3A_307 : i32
      %multiple_of3A_309 = tpu.assume_multiple %sub3A_308, 8 : i32
      %add3A_310 = arith.constant 32 : i32
      %add3A_311 = arith.addi %mul3A_32, %add3A_310 : i32
      %mul3A_312 = arith.constant 8 : i32
      %mul3A_313 = arith.muli %mul3A_312, %scan3A_256 : i32
      %add3A_314 = arith.addi %add3A_311, %mul3A_313 : i32
      %add3A_315 = arith.constant 2 : i32
      %add3A_316 = arith.addi %add3A_314, %add3A_315 : i32
      %mul3A_317 = arith.constant 8 : i32
      %mul3A_318 = arith.muli %mul3A_317, %add3A_316 : i32
      %add3A_319 = arith.addi %select_n3A_9, %mul3A_318 : i32
      %mul3A_320 = arith.constant 1024 : i32
      %mul3A_321 = arith.muli %add3A_319, %mul3A_320 : i32
      %multiple_of3A_322 = tpu.assume_multiple %mul3A_321, 8 : i32
      %dma_start3A_323 = tpu.memref_slice %arg7[%multiple_of3A_309] : memref<5120xf32, #tpu.memory_space<vmem>> -> memref<1024xf32, #tpu.memory_space<vmem>>
      %dma_start3A_324 = tpu.memref_slice %arg4[%multiple_of3A_322] : memref<4194304xf32, #tpu.memory_space<hbm>> -> memref<1024xf32, #tpu.memory_space<hbm>>
      %dma_start3A_325 = tpu.memref_slice %arg4[%multiple_of3A_322] : memref<4194304xf32, #tpu.memory_space<hbm>> -> memref<1024xf32, #tpu.memory_space<hbm>>
      %dma_start3A_326 = tpu.memref_slice %arg7[%multiple_of3A_309] : memref<5120xf32, #tpu.memory_space<vmem>> -> memref<1024xf32, #tpu.memory_space<vmem>>
      tpu.enqueue_dma source(%dma_start3A_326 : memref<1024xf32, #tpu.memory_space<vmem>>) target(%dma_start3A_325 : memref<1024xf32, #tpu.memory_space<hbm>>) target_semaphore(%arg8 : memref<!tpu.dma_semaphore, #tpu.memory_space<semaphore_mem>>)
      %mul3A_327 = arith.constant 64 : i32
      %mul3A_328 = arith.muli %mul3A_327, %scan3A_256 : i32
      %sub3A_329 = arith.constant 1528 : i32
      %sub3A_330 = arith.subi %sub3A_329, %mul3A_328 : i32
      %sub3A_331 = arith.constant 24 : i32
      %sub3A_332 = arith.subi %sub3A_330, %sub3A_331 : i32
      %multiple_of3A_333 = tpu.assume_multiple %sub3A_332, 8 : i32
      %add3A_334 = arith.constant 32 : i32
      %add3A_335 = arith.addi %mul3A_32, %add3A_334 : i32
      %mul3A_336 = arith.constant 8 : i32
      %mul3A_337 = arith.muli %mul3A_336, %scan3A_256 : i32
      %add3A_338 = arith.addi %add3A_335, %mul3A_337 : i32
      %add3A_339 = arith.constant 3 : i32
      %add3A_340 = arith.addi %add3A_338, %add3A_339 : i32
      %mul3A_341 = arith.constant 8 : i32
      %mul3A_342 = arith.muli %mul3A_341, %add3A_340 : i32
      %add3A_343 = arith.addi %select_n3A_9, %mul3A_342 : i32
      %mul3A_344 = arith.constant 1024 : i32
      %mul3A_345 = arith.muli %add3A_343, %mul3A_344 : i32
      %multiple_of3A_346 = tpu.assume_multiple %mul3A_345, 8 : i32
      %dma_start3A_347 = tpu.memref_slice %arg7[%multiple_of3A_333] : memref<5120xf32, #tpu.memory_space<vmem>> -> memref<1024xf32, #tpu.memory_space<vmem>>
      %dma_start3A_348 = tpu.memref_slice %arg4[%multiple_of3A_346] : memref<4194304xf32, #tpu.memory_space<hbm>> -> memref<1024xf32, #tpu.memory_space<hbm>>
      %dma_start3A_349 = tpu.memref_slice %arg4[%multiple_of3A_346] : memref<4194304xf32, #tpu.memory_space<hbm>> -> memref<1024xf32, #tpu.memory_space<hbm>>
      %dma_start3A_350 = tpu.memref_slice %arg7[%multiple_of3A_333] : memref<5120xf32, #tpu.memory_space<vmem>> -> memref<1024xf32, #tpu.memory_space<vmem>>
      tpu.enqueue_dma source(%dma_start3A_350 : memref<1024xf32, #tpu.memory_space<vmem>>) target(%dma_start3A_349 : memref<1024xf32, #tpu.memory_space<hbm>>) target_semaphore(%arg8 : memref<!tpu.dma_semaphore, #tpu.memory_space<semaphore_mem>>)
      %mul3A_351 = arith.constant 64 : i32
      %mul3A_352 = arith.muli %mul3A_351, %scan3A_256 : i32
      %sub3A_353 = arith.constant 1528 : i32
      %sub3A_354 = arith.subi %sub3A_353, %mul3A_352 : i32
      %sub3A_355 = arith.constant 32 : i32
      %sub3A_356 = arith.subi %sub3A_354, %sub3A_355 : i32
      %multiple_of3A_357 = tpu.assume_multiple %sub3A_356, 8 : i32
      %add3A_358 = arith.constant 32 : i32
      %add3A_359 = arith.addi %mul3A_32, %add3A_358 : i32
      %mul3A_360 = arith.constant 8 : i32
      %mul3A_361 = arith.muli %mul3A_360, %scan3A_256 : i32
      %add3A_362 = arith.addi %add3A_359, %mul3A_361 : i32
      %add3A_363 = arith.constant 4 : i32
      %add3A_364 = arith.addi %add3A_362, %add3A_363 : i32
      %mul3A_365 = arith.constant 8 : i32
      %mul3A_366 = arith.muli %mul3A_365, %add3A_364 : i32
      %add3A_367 = arith.addi %select_n3A_9, %mul3A_366 : i32
      %mul3A_368 = arith.constant 1024 : i32
      %mul3A_369 = arith.muli %add3A_367, %mul3A_368 : i32
      %multiple_of3A_370 = tpu.assume_multiple %mul3A_369, 8 : i32
      %dma_start3A_371 = tpu.memref_slice %arg7[%multiple_of3A_357] : memref<5120xf32, #tpu.memory_space<vmem>> -> memref<1024xf32, #tpu.memory_space<vmem>>
      %dma_start3A_372 = tpu.memref_slice %arg4[%multiple_of3A_370] : memref<4194304xf32, #tpu.memory_space<hbm>> -> memref<1024xf32, #tpu.memory_space<hbm>>
      %dma_start3A_373 = tpu.memref_slice %arg4[%multiple_of3A_370] : memref<4194304xf32, #tpu.memory_space<hbm>> -> memref<1024xf32, #tpu.memory_space<hbm>>
      %dma_start3A_374 = tpu.memref_slice %arg7[%multiple_of3A_357] : memref<5120xf32, #tpu.memory_space<vmem>> -> memref<1024xf32, #tpu.memory_space<vmem>>
      tpu.enqueue_dma source(%dma_start3A_374 : memref<1024xf32, #tpu.memory_space<vmem>>) target(%dma_start3A_373 : memref<1024xf32, #tpu.memory_space<hbm>>) target_semaphore(%arg8 : memref<!tpu.dma_semaphore, #tpu.memory_space<semaphore_mem>>)
      %mul3A_375 = arith.constant 64 : i32
      %mul3A_376 = arith.muli %mul3A_375, %scan3A_256 : i32
      %sub3A_377 = arith.constant 1528 : i32
      %sub3A_378 = arith.subi %sub3A_377, %mul3A_376 : i32
      %sub3A_379 = arith.constant 40 : i32
      %sub3A_380 = arith.subi %sub3A_378, %sub3A_379 : i32
      %multiple_of3A_381 = tpu.assume_multiple %sub3A_380, 8 : i32
      %add3A_382 = arith.constant 32 : i32
      %add3A_383 = arith.addi %mul3A_32, %add3A_382 : i32
      %mul3A_384 = arith.constant 8 : i32
      %mul3A_385 = arith.muli %mul3A_384, %scan3A_256 : i32
      %add3A_386 = arith.addi %add3A_383, %mul3A_385 : i32
      %add3A_387 = arith.constant 5 : i32
      %add3A_388 = arith.addi %add3A_386, %add3A_387 : i32
      %mul3A_389 = arith.constant 8 : i32
      %mul3A_390 = arith.muli %mul3A_389, %add3A_388 : i32
      %add3A_391 = arith.addi %select_n3A_9, %mul3A_390 : i32
      %mul3A_392 = arith.constant 1024 : i32
      %mul3A_393 = arith.muli %add3A_391, %mul3A_392 : i32
      %multiple_of3A_394 = tpu.assume_multiple %mul3A_393, 8 : i32
      %dma_start3A_395 = tpu.memref_slice %arg7[%multiple_of3A_381] : memref<5120xf32, #tpu.memory_space<vmem>> -> memref<1024xf32, #tpu.memory_space<vmem>>
      %dma_start3A_396 = tpu.memref_slice %arg4[%multiple_of3A_394] : memref<4194304xf32, #tpu.memory_space<hbm>> -> memref<1024xf32, #tpu.memory_space<hbm>>
      %dma_start3A_397 = tpu.memref_slice %arg4[%multiple_of3A_394] : memref<4194304xf32, #tpu.memory_space<hbm>> -> memref<1024xf32, #tpu.memory_space<hbm>>
      %dma_start3A_398 = tpu.memref_slice %arg7[%multiple_of3A_381] : memref<5120xf32, #tpu.memory_space<vmem>> -> memref<1024xf32, #tpu.memory_space<vmem>>
      tpu.enqueue_dma source(%dma_start3A_398 : memref<1024xf32, #tpu.memory_space<vmem>>) target(%dma_start3A_397 : memref<1024xf32, #tpu.memory_space<hbm>>) target_semaphore(%arg8 : memref<!tpu.dma_semaphore, #tpu.memory_space<semaphore_mem>>)
      %mul3A_399 = arith.constant 64 : i32
      %mul3A_400 = arith.muli %mul3A_399, %scan3A_256 : i32
      %sub3A_401 = arith.constant 1528 : i32
      %sub3A_402 = arith.subi %sub3A_401, %mul3A_400 : i32
      %sub3A_403 = arith.constant 48 : i32
      %sub3A_404 = arith.subi %sub3A_402, %sub3A_403 : i32
      %multiple_of3A_405 = tpu.assume_multiple %sub3A_404, 8 : i32
      %add3A_406 = arith.constant 32 : i32
      %add3A_407 = arith.addi %mul3A_32, %add3A_406 : i32
      %mul3A_408 = arith.constant 8 : i32
      %mul3A_409 = arith.muli %mul3A_408, %scan3A_256 : i32
      %add3A_410 = arith.addi %add3A_407, %mul3A_409 : i32
      %add3A_411 = arith.constant 6 : i32
      %add3A_412 = arith.addi %add3A_410, %add3A_411 : i32
      %mul3A_413 = arith.constant 8 : i32
      %mul3A_414 = arith.muli %mul3A_413, %add3A_412 : i32
      %add3A_415 = arith.addi %select_n3A_9, %mul3A_414 : i32
      %mul3A_416 = arith.constant 1024 : i32
      %mul3A_417 = arith.muli %add3A_415, %mul3A_416 : i32
      %multiple_of3A_418 = tpu.assume_multiple %mul3A_417, 8 : i32
      %dma_start3A_419 = tpu.memref_slice %arg7[%multiple_of3A_405] : memref<5120xf32, #tpu.memory_space<vmem>> -> memref<1024xf32, #tpu.memory_space<vmem>>
      %dma_start3A_420 = tpu.memref_slice %arg4[%multiple_of3A_418] : memref<4194304xf32, #tpu.memory_space<hbm>> -> memref<1024xf32, #tpu.memory_space<hbm>>
      %dma_start3A_421 = tpu.memref_slice %arg4[%multiple_of3A_418] : memref<4194304xf32, #tpu.memory_space<hbm>> -> memref<1024xf32, #tpu.memory_space<hbm>>
      %dma_start3A_422 = tpu.memref_slice %arg7[%multiple_of3A_405] : memref<5120xf32, #tpu.memory_space<vmem>> -> memref<1024xf32, #tpu.memory_space<vmem>>
      tpu.enqueue_dma source(%dma_start3A_422 : memref<1024xf32, #tpu.memory_space<vmem>>) target(%dma_start3A_421 : memref<1024xf32, #tpu.memory_space<hbm>>) target_semaphore(%arg8 : memref<!tpu.dma_semaphore, #tpu.memory_space<semaphore_mem>>)
      %mul3A_423 = arith.constant 64 : i32
      %mul3A_424 = arith.muli %mul3A_423, %scan3A_256 : i32
      %sub3A_425 = arith.constant 1528 : i32
      %sub3A_426 = arith.subi %sub3A_425, %mul3A_424 : i32
      %sub3A_427 = arith.constant 56 : i32
      %sub3A_428 = arith.subi %sub3A_426, %sub3A_427 : i32
      %multiple_of3A_429 = tpu.assume_multiple %sub3A_428, 8 : i32
      %add3A_430 = arith.constant 32 : i32
      %add3A_431 = arith.addi %mul3A_32, %add3A_430 : i32
      %mul3A_432 = arith.constant 8 : i32
      %mul3A_433 = arith.muli %mul3A_432, %scan3A_256 : i32
      %add3A_434 = arith.addi %add3A_431, %mul3A_433 : i32
      %add3A_435 = arith.constant 7 : i32
      %add3A_436 = arith.addi %add3A_434, %add3A_435 : i32
      %mul3A_437 = arith.constant 8 : i32
      %mul3A_438 = arith.muli %mul3A_437, %add3A_436 : i32
      %add3A_439 = arith.addi %select_n3A_9, %mul3A_438 : i32
      %mul3A_440 = arith.constant 1024 : i32
      %mul3A_441 = arith.muli %add3A_439, %mul3A_440 : i32
      %multiple_of3A_442 = tpu.assume_multiple %mul3A_441, 8 : i32
      %dma_start3A_443 = tpu.memref_slice %arg7[%multiple_of3A_429] : memref<5120xf32, #tpu.memory_space<vmem>> -> memref<1024xf32, #tpu.memory_space<vmem>>
      %dma_start3A_444 = tpu.memref_slice %arg4[%multiple_of3A_442] : memref<4194304xf32, #tpu.memory_space<hbm>> -> memref<1024xf32, #tpu.memory_space<hbm>>
      %dma_start3A_445 = tpu.memref_slice %arg4[%multiple_of3A_442] : memref<4194304xf32, #tpu.memory_space<hbm>> -> memref<1024xf32, #tpu.memory_space<hbm>>
      %dma_start3A_446 = tpu.memref_slice %arg7[%multiple_of3A_429] : memref<5120xf32, #tpu.memory_space<vmem>> -> memref<1024xf32, #tpu.memory_space<vmem>>
      tpu.enqueue_dma source(%dma_start3A_446 : memref<1024xf32, #tpu.memory_space<vmem>>) target(%dma_start3A_445 : memref<1024xf32, #tpu.memory_space<hbm>>) target_semaphore(%arg8 : memref<!tpu.dma_semaphore, #tpu.memory_space<semaphore_mem>>)
    }
    %scan3A_237 = arith.constant 4 : i32
    %scan3A_238 = arith.constant 0 : i32
    %scan3A_239 = arith.constant 0 : i32
    %scan3A_240 = arith.constant 4 : i32
    %scan3A_241 = arith.addi %scan3A_239, %scan3A_240 : i32
    %scan3A_242 = arith.constant 1 : i32
    scf.for %scan3A_256 = %scan3A_239 to %scan3A_241 step %scan3A_242  : i32 {
      %mul3A_257 = arith.constant 64 : i32
      %mul3A_258 = arith.muli %mul3A_257, %scan3A_256 : i32
      %sub3A_259 = arith.constant 2808 : i32
      %sub3A_260 = arith.subi %sub3A_259, %mul3A_258 : i32
      %sub3A_261 = arith.constant 0 : i32
      %sub3A_262 = arith.subi %sub3A_260, %sub3A_261 : i32
      %multiple_of3A = tpu.assume_multiple %sub3A_262, 8 : i32
      %add3A_263 = arith.constant 64 : i32
      %add3A_264 = arith.addi %mul3A_32, %add3A_263 : i32
      %mul3A_265 = arith.constant 8 : i32
      %mul3A_266 = arith.muli %mul3A_265, %scan3A_256 : i32
      %add3A_267 = arith.addi %add3A_264, %mul3A_266 : i32
      %add3A_268 = arith.constant 0 : i32
      %add3A_269 = arith.addi %add3A_267, %add3A_268 : i32
      %mul3A_270 = arith.constant 8 : i32
      %mul3A_271 = arith.muli %mul3A_270, %add3A_269 : i32
      %add3A_272 = arith.addi %select_n3A_9, %mul3A_271 : i32
      %mul3A_273 = arith.constant 1024 : i32
      %mul3A_274 = arith.muli %add3A_272, %mul3A_273 : i32
      %multiple_of3A_275 = tpu.assume_multiple %mul3A_274, 8 : i32
      %dma_start3A = tpu.memref_slice %arg7[%multiple_of3A] : memref<5120xf32, #tpu.memory_space<vmem>> -> memref<1024xf32, #tpu.memory_space<vmem>>
      %dma_start3A_276 = tpu.memref_slice %arg4[%multiple_of3A_275] : memref<4194304xf32, #tpu.memory_space<hbm>> -> memref<1024xf32, #tpu.memory_space<hbm>>
      %dma_start3A_277 = tpu.memref_slice %arg4[%multiple_of3A_275] : memref<4194304xf32, #tpu.memory_space<hbm>> -> memref<1024xf32, #tpu.memory_space<hbm>>
      %dma_start3A_278 = tpu.memref_slice %arg7[%multiple_of3A] : memref<5120xf32, #tpu.memory_space<vmem>> -> memref<1024xf32, #tpu.memory_space<vmem>>
      tpu.enqueue_dma source(%dma_start3A_278 : memref<1024xf32, #tpu.memory_space<vmem>>) target(%dma_start3A_277 : memref<1024xf32, #tpu.memory_space<hbm>>) target_semaphore(%arg8 : memref<!tpu.dma_semaphore, #tpu.memory_space<semaphore_mem>>)
      %mul3A_279 = arith.constant 64 : i32
      %mul3A_280 = arith.muli %mul3A_279, %scan3A_256 : i32
      %sub3A_281 = arith.constant 2808 : i32
      %sub3A_282 = arith.subi %sub3A_281, %mul3A_280 : i32
      %sub3A_283 = arith.constant 8 : i32
      %sub3A_284 = arith.subi %sub3A_282, %sub3A_283 : i32
      %multiple_of3A_285 = tpu.assume_multiple %sub3A_284, 8 : i32
      %add3A_286 = arith.constant 64 : i32
      %add3A_287 = arith.addi %mul3A_32, %add3A_286 : i32
      %mul3A_288 = arith.constant 8 : i32
      %mul3A_289 = arith.muli %mul3A_288, %scan3A_256 : i32
      %add3A_290 = arith.addi %add3A_287, %mul3A_289 : i32
      %add3A_291 = arith.constant 1 : i32
      %add3A_292 = arith.addi %add3A_290, %add3A_291 : i32
      %mul3A_293 = arith.constant 8 : i32
      %mul3A_294 = arith.muli %mul3A_293, %add3A_292 : i32
      %add3A_295 = arith.addi %select_n3A_9, %mul3A_294 : i32
      %mul3A_296 = arith.constant 1024 : i32
      %mul3A_297 = arith.muli %add3A_295, %mul3A_296 : i32
      %multiple_of3A_298 = tpu.assume_multiple %mul3A_297, 8 : i32
      %dma_start3A_299 = tpu.memref_slice %arg7[%multiple_of3A_285] : memref<5120xf32, #tpu.memory_space<vmem>> -> memref<1024xf32, #tpu.memory_space<vmem>>
      %dma_start3A_300 = tpu.memref_slice %arg4[%multiple_of3A_298] : memref<4194304xf32, #tpu.memory_space<hbm>> -> memref<1024xf32, #tpu.memory_space<hbm>>
      %dma_start3A_301 = tpu.memref_slice %arg4[%multiple_of3A_298] : memref<4194304xf32, #tpu.memory_space<hbm>> -> memref<1024xf32, #tpu.memory_space<hbm>>
      %dma_start3A_302 = tpu.memref_slice %arg7[%multiple_of3A_285] : memref<5120xf32, #tpu.memory_space<vmem>> -> memref<1024xf32, #tpu.memory_space<vmem>>
      tpu.enqueue_dma source(%dma_start3A_302 : memref<1024xf32, #tpu.memory_space<vmem>>) target(%dma_start3A_301 : memref<1024xf32, #tpu.memory_space<hbm>>) target_semaphore(%arg8 : memref<!tpu.dma_semaphore, #tpu.memory_space<semaphore_mem>>)
      %mul3A_303 = arith.constant 64 : i32
      %mul3A_304 = arith.muli %mul3A_303, %scan3A_256 : i32
      %sub3A_305 = arith.constant 2808 : i32
      %sub3A_306 = arith.subi %sub3A_305, %mul3A_304 : i32
      %sub3A_307 = arith.constant 16 : i32
      %sub3A_308 = arith.subi %sub3A_306, %sub3A_307 : i32
      %multiple_of3A_309 = tpu.assume_multiple %sub3A_308, 8 : i32
      %add3A_310 = arith.constant 64 : i32
      %add3A_311 = arith.addi %mul3A_32, %add3A_310 : i32
      %mul3A_312 = arith.constant 8 : i32
      %mul3A_313 = arith.muli %mul3A_312, %scan3A_256 : i32
      %add3A_314 = arith.addi %add3A_311, %mul3A_313 : i32
      %add3A_315 = arith.constant 2 : i32
      %add3A_316 = arith.addi %add3A_314, %add3A_315 : i32
      %mul3A_317 = arith.constant 8 : i32
      %mul3A_318 = arith.muli %mul3A_317, %add3A_316 : i32
      %add3A_319 = arith.addi %select_n3A_9, %mul3A_318 : i32
      %mul3A_320 = arith.constant 1024 : i32
      %mul3A_321 = arith.muli %add3A_319, %mul3A_320 : i32
      %multiple_of3A_322 = tpu.assume_multiple %mul3A_321, 8 : i32
      %dma_start3A_323 = tpu.memref_slice %arg7[%multiple_of3A_309] : memref<5120xf32, #tpu.memory_space<vmem>> -> memref<1024xf32, #tpu.memory_space<vmem>>
      %dma_start3A_324 = tpu.memref_slice %arg4[%multiple_of3A_322] : memref<4194304xf32, #tpu.memory_space<hbm>> -> memref<1024xf32, #tpu.memory_space<hbm>>
      %dma_start3A_325 = tpu.memref_slice %arg4[%multiple_of3A_322] : memref<4194304xf32, #tpu.memory_space<hbm>> -> memref<1024xf32, #tpu.memory_space<hbm>>
      %dma_start3A_326 = tpu.memref_slice %arg7[%multiple_of3A_309] : memref<5120xf32, #tpu.memory_space<vmem>> -> memref<1024xf32, #tpu.memory_space<vmem>>
      tpu.enqueue_dma source(%dma_start3A_326 : memref<1024xf32, #tpu.memory_space<vmem>>) target(%dma_start3A_325 : memref<1024xf32, #tpu.memory_space<hbm>>) target_semaphore(%arg8 : memref<!tpu.dma_semaphore, #tpu.memory_space<semaphore_mem>>)
      %mul3A_327 = arith.constant 64 : i32
      %mul3A_328 = arith.muli %mul3A_327, %scan3A_256 : i32
      %sub3A_329 = arith.constant 2808 : i32
      %sub3A_330 = arith.subi %sub3A_329, %mul3A_328 : i32
      %sub3A_331 = arith.constant 24 : i32
      %sub3A_332 = arith.subi %sub3A_330, %sub3A_331 : i32
      %multiple_of3A_333 = tpu.assume_multiple %sub3A_332, 8 : i32
      %add3A_334 = arith.constant 64 : i32
      %add3A_335 = arith.addi %mul3A_32, %add3A_334 : i32
      %mul3A_336 = arith.constant 8 : i32
      %mul3A_337 = arith.muli %mul3A_336, %scan3A_256 : i32
      %add3A_338 = arith.addi %add3A_335, %mul3A_337 : i32
      %add3A_339 = arith.constant 3 : i32
      %add3A_340 = arith.addi %add3A_338, %add3A_339 : i32
      %mul3A_341 = arith.constant 8 : i32
      %mul3A_342 = arith.muli %mul3A_341, %add3A_340 : i32
      %add3A_343 = arith.addi %select_n3A_9, %mul3A_342 : i32
      %mul3A_344 = arith.constant 1024 : i32
      %mul3A_345 = arith.muli %add3A_343, %mul3A_344 : i32
      %multiple_of3A_346 = tpu.assume_multiple %mul3A_345, 8 : i32
      %dma_start3A_347 = tpu.memref_slice %arg7[%multiple_of3A_333] : memref<5120xf32, #tpu.memory_space<vmem>> -> memref<1024xf32, #tpu.memory_space<vmem>>
      %dma_start3A_348 = tpu.memref_slice %arg4[%multiple_of3A_346] : memref<4194304xf32, #tpu.memory_space<hbm>> -> memref<1024xf32, #tpu.memory_space<hbm>>
      %dma_start3A_349 = tpu.memref_slice %arg4[%multiple_of3A_346] : memref<4194304xf32, #tpu.memory_space<hbm>> -> memref<1024xf32, #tpu.memory_space<hbm>>
      %dma_start3A_350 = tpu.memref_slice %arg7[%multiple_of3A_333] : memref<5120xf32, #tpu.memory_space<vmem>> -> memref<1024xf32, #tpu.memory_space<vmem>>
      tpu.enqueue_dma source(%dma_start3A_350 : memref<1024xf32, #tpu.memory_space<vmem>>) target(%dma_start3A_349 : memref<1024xf32, #tpu.memory_space<hbm>>) target_semaphore(%arg8 : memref<!tpu.dma_semaphore, #tpu.memory_space<semaphore_mem>>)
      %mul3A_351 = arith.constant 64 : i32
      %mul3A_352 = arith.muli %mul3A_351, %scan3A_256 : i32
      %sub3A_353 = arith.constant 2808 : i32
      %sub3A_354 = arith.subi %sub3A_353, %mul3A_352 : i32
      %sub3A_355 = arith.constant 32 : i32
      %sub3A_356 = arith.subi %sub3A_354, %sub3A_355 : i32
      %multiple_of3A_357 = tpu.assume_multiple %sub3A_356, 8 : i32
      %add3A_358 = arith.constant 64 : i32
      %add3A_359 = arith.addi %mul3A_32, %add3A_358 : i32
      %mul3A_360 = arith.constant 8 : i32
      %mul3A_361 = arith.muli %mul3A_360, %scan3A_256 : i32
      %add3A_362 = arith.addi %add3A_359, %mul3A_361 : i32
      %add3A_363 = arith.constant 4 : i32
      %add3A_364 = arith.addi %add3A_362, %add3A_363 : i32
      %mul3A_365 = arith.constant 8 : i32
      %mul3A_366 = arith.muli %mul3A_365, %add3A_364 : i32
      %add3A_367 = arith.addi %select_n3A_9, %mul3A_366 : i32
      %mul3A_368 = arith.constant 1024 : i32
      %mul3A_369 = arith.muli %add3A_367, %mul3A_368 : i32
      %multiple_of3A_370 = tpu.assume_multiple %mul3A_369, 8 : i32
      %dma_start3A_371 = tpu.memref_slice %arg7[%multiple_of3A_357] : memref<5120xf32, #tpu.memory_space<vmem>> -> memref<1024xf32, #tpu.memory_space<vmem>>
      %dma_start3A_372 = tpu.memref_slice %arg4[%multiple_of3A_370] : memref<4194304xf32, #tpu.memory_space<hbm>> -> memref<1024xf32, #tpu.memory_space<hbm>>
      %dma_start3A_373 = tpu.memref_slice %arg4[%multiple_of3A_370] : memref<4194304xf32, #tpu.memory_space<hbm>> -> memref<1024xf32, #tpu.memory_space<hbm>>
      %dma_start3A_374 = tpu.memref_slice %arg7[%multiple_of3A_357] : memref<5120xf32, #tpu.memory_space<vmem>> -> memref<1024xf32, #tpu.memory_space<vmem>>
      tpu.enqueue_dma source(%dma_start3A_374 : memref<1024xf32, #tpu.memory_space<vmem>>) target(%dma_start3A_373 : memref<1024xf32, #tpu.memory_space<hbm>>) target_semaphore(%arg8 : memref<!tpu.dma_semaphore, #tpu.memory_space<semaphore_mem>>)
      %mul3A_375 = arith.constant 64 : i32
      %mul3A_376 = arith.muli %mul3A_375, %scan3A_256 : i32
      %sub3A_377 = arith.constant 2808 : i32
      %sub3A_378 = arith.subi %sub3A_377, %mul3A_376 : i32
      %sub3A_379 = arith.constant 40 : i32
      %sub3A_380 = arith.subi %sub3A_378, %sub3A_379 : i32
      %multiple_of3A_381 = tpu.assume_multiple %sub3A_380, 8 : i32
      %add3A_382 = arith.constant 64 : i32
      %add3A_383 = arith.addi %mul3A_32, %add3A_382 : i32
      %mul3A_384 = arith.constant 8 : i32
      %mul3A_385 = arith.muli %mul3A_384, %scan3A_256 : i32
      %add3A_386 = arith.addi %add3A_383, %mul3A_385 : i32
      %add3A_387 = arith.constant 5 : i32
      %add3A_388 = arith.addi %add3A_386, %add3A_387 : i32
      %mul3A_389 = arith.constant 8 : i32
      %mul3A_390 = arith.muli %mul3A_389, %add3A_388 : i32
      %add3A_391 = arith.addi %select_n3A_9, %mul3A_390 : i32
      %mul3A_392 = arith.constant 1024 : i32
      %mul3A_393 = arith.muli %add3A_391, %mul3A_392 : i32
      %multiple_of3A_394 = tpu.assume_multiple %mul3A_393, 8 : i32
      %dma_start3A_395 = tpu.memref_slice %arg7[%multiple_of3A_381] : memref<5120xf32, #tpu.memory_space<vmem>> -> memref<1024xf32, #tpu.memory_space<vmem>>
      %dma_start3A_396 = tpu.memref_slice %arg4[%multiple_of3A_394] : memref<4194304xf32, #tpu.memory_space<hbm>> -> memref<1024xf32, #tpu.memory_space<hbm>>
      %dma_start3A_397 = tpu.memref_slice %arg4[%multiple_of3A_394] : memref<4194304xf32, #tpu.memory_space<hbm>> -> memref<1024xf32, #tpu.memory_space<hbm>>
      %dma_start3A_398 = tpu.memref_slice %arg7[%multiple_of3A_381] : memref<5120xf32, #tpu.memory_space<vmem>> -> memref<1024xf32, #tpu.memory_space<vmem>>
      tpu.enqueue_dma source(%dma_start3A_398 : memref<1024xf32, #tpu.memory_space<vmem>>) target(%dma_start3A_397 : memref<1024xf32, #tpu.memory_space<hbm>>) target_semaphore(%arg8 : memref<!tpu.dma_semaphore, #tpu.memory_space<semaphore_mem>>)
      %mul3A_399 = arith.constant 64 : i32
      %mul3A_400 = arith.muli %mul3A_399, %scan3A_256 : i32
      %sub3A_401 = arith.constant 2808 : i32
      %sub3A_402 = arith.subi %sub3A_401, %mul3A_400 : i32
      %sub3A_403 = arith.constant 48 : i32
      %sub3A_404 = arith.subi %sub3A_402, %sub3A_403 : i32
      %multiple_of3A_405 = tpu.assume_multiple %sub3A_404, 8 : i32
      %add3A_406 = arith.constant 64 : i32
      %add3A_407 = arith.addi %mul3A_32, %add3A_406 : i32
      %mul3A_408 = arith.constant 8 : i32
      %mul3A_409 = arith.muli %mul3A_408, %scan3A_256 : i32
      %add3A_410 = arith.addi %add3A_407, %mul3A_409 : i32
      %add3A_411 = arith.constant 6 : i32
      %add3A_412 = arith.addi %add3A_410, %add3A_411 : i32
      %mul3A_413 = arith.constant 8 : i32
      %mul3A_414 = arith.muli %mul3A_413, %add3A_412 : i32
      %add3A_415 = arith.addi %select_n3A_9, %mul3A_414 : i32
      %mul3A_416 = arith.constant 1024 : i32
      %mul3A_417 = arith.muli %add3A_415, %mul3A_416 : i32
      %multiple_of3A_418 = tpu.assume_multiple %mul3A_417, 8 : i32
      %dma_start3A_419 = tpu.memref_slice %arg7[%multiple_of3A_405] : memref<5120xf32, #tpu.memory_space<vmem>> -> memref<1024xf32, #tpu.memory_space<vmem>>
      %dma_start3A_420 = tpu.memref_slice %arg4[%multiple_of3A_418] : memref<4194304xf32, #tpu.memory_space<hbm>> -> memref<1024xf32, #tpu.memory_space<hbm>>
      %dma_start3A_421 = tpu.memref_slice %arg4[%multiple_of3A_418] : memref<4194304xf32, #tpu.memory_space<hbm>> -> memref<1024xf32, #tpu.memory_space<hbm>>
      %dma_start3A_422 = tpu.memref_slice %arg7[%multiple_of3A_405] : memref<5120xf32, #tpu.memory_space<vmem>> -> memref<1024xf32, #tpu.memory_space<vmem>>
      tpu.enqueue_dma source(%dma_start3A_422 : memref<1024xf32, #tpu.memory_space<vmem>>) target(%dma_start3A_421 : memref<1024xf32, #tpu.memory_space<hbm>>) target_semaphore(%arg8 : memref<!tpu.dma_semaphore, #tpu.memory_space<semaphore_mem>>)
      %mul3A_423 = arith.constant 64 : i32
      %mul3A_424 = arith.muli %mul3A_423, %scan3A_256 : i32
      %sub3A_425 = arith.constant 2808 : i32
      %sub3A_426 = arith.subi %sub3A_425, %mul3A_424 : i32
      %sub3A_427 = arith.constant 56 : i32
      %sub3A_428 = arith.subi %sub3A_426, %sub3A_427 : i32
      %multiple_of3A_429 = tpu.assume_multiple %sub3A_428, 8 : i32
      %add3A_430 = arith.constant 64 : i32
      %add3A_431 = arith.addi %mul3A_32, %add3A_430 : i32
      %mul3A_432 = arith.constant 8 : i32
      %mul3A_433 = arith.muli %mul3A_432, %scan3A_256 : i32
      %add3A_434 = arith.addi %add3A_431, %mul3A_433 : i32
      %add3A_435 = arith.constant 7 : i32
      %add3A_436 = arith.addi %add3A_434, %add3A_435 : i32
      %mul3A_437 = arith.constant 8 : i32
      %mul3A_438 = arith.muli %mul3A_437, %add3A_436 : i32
      %add3A_439 = arith.addi %select_n3A_9, %mul3A_438 : i32
      %mul3A_440 = arith.constant 1024 : i32
      %mul3A_441 = arith.muli %add3A_439, %mul3A_440 : i32
      %multiple_of3A_442 = tpu.assume_multiple %mul3A_441, 8 : i32
      %dma_start3A_443 = tpu.memref_slice %arg7[%multiple_of3A_429] : memref<5120xf32, #tpu.memory_space<vmem>> -> memref<1024xf32, #tpu.memory_space<vmem>>
      %dma_start3A_444 = tpu.memref_slice %arg4[%multiple_of3A_442] : memref<4194304xf32, #tpu.memory_space<hbm>> -> memref<1024xf32, #tpu.memory_space<hbm>>
      %dma_start3A_445 = tpu.memref_slice %arg4[%multiple_of3A_442] : memref<4194304xf32, #tpu.memory_space<hbm>> -> memref<1024xf32, #tpu.memory_space<hbm>>
      %dma_start3A_446 = tpu.memref_slice %arg7[%multiple_of3A_429] : memref<5120xf32, #tpu.memory_space<vmem>> -> memref<1024xf32, #tpu.memory_space<vmem>>
      tpu.enqueue_dma source(%dma_start3A_446 : memref<1024xf32, #tpu.memory_space<vmem>>) target(%dma_start3A_445 : memref<1024xf32, #tpu.memory_space<hbm>>) target_semaphore(%arg8 : memref<!tpu.dma_semaphore, #tpu.memory_space<semaphore_mem>>)
    }
    %scan3A_243 = arith.constant 4 : i32
    %scan3A_244 = arith.constant 0 : i32
    %scan3A_245 = arith.constant 0 : i32
    %scan3A_246 = arith.constant 4 : i32
    %scan3A_247 = arith.addi %scan3A_245, %scan3A_246 : i32
    %scan3A_248 = arith.constant 1 : i32
    scf.for %scan3A_256 = %scan3A_245 to %scan3A_247 step %scan3A_248  : i32 {
      %mul3A_257 = arith.constant 64 : i32
      %mul3A_258 = arith.muli %mul3A_257, %scan3A_256 : i32
      %sub3A_259 = arith.constant 4088 : i32
      %sub3A_260 = arith.subi %sub3A_259, %mul3A_258 : i32
      %sub3A_261 = arith.constant 0 : i32
      %sub3A_262 = arith.subi %sub3A_260, %sub3A_261 : i32
      %multiple_of3A = tpu.assume_multiple %sub3A_262, 8 : i32
      %add3A_263 = arith.constant 96 : i32
      %add3A_264 = arith.addi %mul3A_32, %add3A_263 : i32
      %mul3A_265 = arith.constant 8 : i32
      %mul3A_266 = arith.muli %mul3A_265, %scan3A_256 : i32
      %add3A_267 = arith.addi %add3A_264, %mul3A_266 : i32
      %add3A_268 = arith.constant 0 : i32
      %add3A_269 = arith.addi %add3A_267, %add3A_268 : i32
      %mul3A_270 = arith.constant 8 : i32
      %mul3A_271 = arith.muli %mul3A_270, %add3A_269 : i32
      %add3A_272 = arith.addi %select_n3A_9, %mul3A_271 : i32
      %mul3A_273 = arith.constant 1024 : i32
      %mul3A_274 = arith.muli %add3A_272, %mul3A_273 : i32
      %multiple_of3A_275 = tpu.assume_multiple %mul3A_274, 8 : i32
      %dma_start3A = tpu.memref_slice %arg7[%multiple_of3A] : memref<5120xf32, #tpu.memory_space<vmem>> -> memref<1024xf32, #tpu.memory_space<vmem>>
      %dma_start3A_276 = tpu.memref_slice %arg4[%multiple_of3A_275] : memref<4194304xf32, #tpu.memory_space<hbm>> -> memref<1024xf32, #tpu.memory_space<hbm>>
      %dma_start3A_277 = tpu.memref_slice %arg4[%multiple_of3A_275] : memref<4194304xf32, #tpu.memory_space<hbm>> -> memref<1024xf32, #tpu.memory_space<hbm>>
      %dma_start3A_278 = tpu.memref_slice %arg7[%multiple_of3A] : memref<5120xf32, #tpu.memory_space<vmem>> -> memref<1024xf32, #tpu.memory_space<vmem>>
      tpu.enqueue_dma source(%dma_start3A_278 : memref<1024xf32, #tpu.memory_space<vmem>>) target(%dma_start3A_277 : memref<1024xf32, #tpu.memory_space<hbm>>) target_semaphore(%arg8 : memref<!tpu.dma_semaphore, #tpu.memory_space<semaphore_mem>>)
      %mul3A_279 = arith.constant 64 : i32
      %mul3A_280 = arith.muli %mul3A_279, %scan3A_256 : i32
      %sub3A_281 = arith.constant 4088 : i32
      %sub3A_282 = arith.subi %sub3A_281, %mul3A_280 : i32
      %sub3A_283 = arith.constant 8 : i32
      %sub3A_284 = arith.subi %sub3A_282, %sub3A_283 : i32
      %multiple_of3A_285 = tpu.assume_multiple %sub3A_284, 8 : i32
      %add3A_286 = arith.constant 96 : i32
      %add3A_287 = arith.addi %mul3A_32, %add3A_286 : i32
      %mul3A_288 = arith.constant 8 : i32
      %mul3A_289 = arith.muli %mul3A_288, %scan3A_256 : i32
      %add3A_290 = arith.addi %add3A_287, %mul3A_289 : i32
      %add3A_291 = arith.constant 1 : i32
      %add3A_292 = arith.addi %add3A_290, %add3A_291 : i32
      %mul3A_293 = arith.constant 8 : i32
      %mul3A_294 = arith.muli %mul3A_293, %add3A_292 : i32
      %add3A_295 = arith.addi %select_n3A_9, %mul3A_294 : i32
      %mul3A_296 = arith.constant 1024 : i32
      %mul3A_297 = arith.muli %add3A_295, %mul3A_296 : i32
      %multiple_of3A_298 = tpu.assume_multiple %mul3A_297, 8 : i32
      %dma_start3A_299 = tpu.memref_slice %arg7[%multiple_of3A_285] : memref<5120xf32, #tpu.memory_space<vmem>> -> memref<1024xf32, #tpu.memory_space<vmem>>
      %dma_start3A_300 = tpu.memref_slice %arg4[%multiple_of3A_298] : memref<4194304xf32, #tpu.memory_space<hbm>> -> memref<1024xf32, #tpu.memory_space<hbm>>
      %dma_start3A_301 = tpu.memref_slice %arg4[%multiple_of3A_298] : memref<4194304xf32, #tpu.memory_space<hbm>> -> memref<1024xf32, #tpu.memory_space<hbm>>
      %dma_start3A_302 = tpu.memref_slice %arg7[%multiple_of3A_285] : memref<5120xf32, #tpu.memory_space<vmem>> -> memref<1024xf32, #tpu.memory_space<vmem>>
      tpu.enqueue_dma source(%dma_start3A_302 : memref<1024xf32, #tpu.memory_space<vmem>>) target(%dma_start3A_301 : memref<1024xf32, #tpu.memory_space<hbm>>) target_semaphore(%arg8 : memref<!tpu.dma_semaphore, #tpu.memory_space<semaphore_mem>>)
      %mul3A_303 = arith.constant 64 : i32
      %mul3A_304 = arith.muli %mul3A_303, %scan3A_256 : i32
      %sub3A_305 = arith.constant 4088 : i32
      %sub3A_306 = arith.subi %sub3A_305, %mul3A_304 : i32
      %sub3A_307 = arith.constant 16 : i32
      %sub3A_308 = arith.subi %sub3A_306, %sub3A_307 : i32
      %multiple_of3A_309 = tpu.assume_multiple %sub3A_308, 8 : i32
      %add3A_310 = arith.constant 96 : i32
      %add3A_311 = arith.addi %mul3A_32, %add3A_310 : i32
      %mul3A_312 = arith.constant 8 : i32
      %mul3A_313 = arith.muli %mul3A_312, %scan3A_256 : i32
      %add3A_314 = arith.addi %add3A_311, %mul3A_313 : i32
      %add3A_315 = arith.constant 2 : i32
      %add3A_316 = arith.addi %add3A_314, %add3A_315 : i32
      %mul3A_317 = arith.constant 8 : i32
      %mul3A_318 = arith.muli %mul3A_317, %add3A_316 : i32
      %add3A_319 = arith.addi %select_n3A_9, %mul3A_318 : i32
      %mul3A_320 = arith.constant 1024 : i32
      %mul3A_321 = arith.muli %add3A_319, %mul3A_320 : i32
      %multiple_of3A_322 = tpu.assume_multiple %mul3A_321, 8 : i32
      %dma_start3A_323 = tpu.memref_slice %arg7[%multiple_of3A_309] : memref<5120xf32, #tpu.memory_space<vmem>> -> memref<1024xf32, #tpu.memory_space<vmem>>
      %dma_start3A_324 = tpu.memref_slice %arg4[%multiple_of3A_322] : memref<4194304xf32, #tpu.memory_space<hbm>> -> memref<1024xf32, #tpu.memory_space<hbm>>
      %dma_start3A_325 = tpu.memref_slice %arg4[%multiple_of3A_322] : memref<4194304xf32, #tpu.memory_space<hbm>> -> memref<1024xf32, #tpu.memory_space<hbm>>
      %dma_start3A_326 = tpu.memref_slice %arg7[%multiple_of3A_309] : memref<5120xf32, #tpu.memory_space<vmem>> -> memref<1024xf32, #tpu.memory_space<vmem>>
      tpu.enqueue_dma source(%dma_start3A_326 : memref<1024xf32, #tpu.memory_space<vmem>>) target(%dma_start3A_325 : memref<1024xf32, #tpu.memory_space<hbm>>) target_semaphore(%arg8 : memref<!tpu.dma_semaphore, #tpu.memory_space<semaphore_mem>>)
      %mul3A_327 = arith.constant 64 : i32
      %mul3A_328 = arith.muli %mul3A_327, %scan3A_256 : i32
      %sub3A_329 = arith.constant 4088 : i32
      %sub3A_330 = arith.subi %sub3A_329, %mul3A_328 : i32
      %sub3A_331 = arith.constant 24 : i32
      %sub3A_332 = arith.subi %sub3A_330, %sub3A_331 : i32
      %multiple_of3A_333 = tpu.assume_multiple %sub3A_332, 8 : i32
      %add3A_334 = arith.constant 96 : i32
      %add3A_335 = arith.addi %mul3A_32, %add3A_334 : i32
      %mul3A_336 = arith.constant 8 : i32
      %mul3A_337 = arith.muli %mul3A_336, %scan3A_256 : i32
      %add3A_338 = arith.addi %add3A_335, %mul3A_337 : i32
      %add3A_339 = arith.constant 3 : i32
      %add3A_340 = arith.addi %add3A_338, %add3A_339 : i32
      %mul3A_341 = arith.constant 8 : i32
      %mul3A_342 = arith.muli %mul3A_341, %add3A_340 : i32
      %add3A_343 = arith.addi %select_n3A_9, %mul3A_342 : i32
      %mul3A_344 = arith.constant 1024 : i32
      %mul3A_345 = arith.muli %add3A_343, %mul3A_344 : i32
      %multiple_of3A_346 = tpu.assume_multiple %mul3A_345, 8 : i32
      %dma_start3A_347 = tpu.memref_slice %arg7[%multiple_of3A_333] : memref<5120xf32, #tpu.memory_space<vmem>> -> memref<1024xf32, #tpu.memory_space<vmem>>
      %dma_start3A_348 = tpu.memref_slice %arg4[%multiple_of3A_346] : memref<4194304xf32, #tpu.memory_space<hbm>> -> memref<1024xf32, #tpu.memory_space<hbm>>
      %dma_start3A_349 = tpu.memref_slice %arg4[%multiple_of3A_346] : memref<4194304xf32, #tpu.memory_space<hbm>> -> memref<1024xf32, #tpu.memory_space<hbm>>
      %dma_start3A_350 = tpu.memref_slice %arg7[%multiple_of3A_333] : memref<5120xf32, #tpu.memory_space<vmem>> -> memref<1024xf32, #tpu.memory_space<vmem>>
      tpu.enqueue_dma source(%dma_start3A_350 : memref<1024xf32, #tpu.memory_space<vmem>>) target(%dma_start3A_349 : memref<1024xf32, #tpu.memory_space<hbm>>) target_semaphore(%arg8 : memref<!tpu.dma_semaphore, #tpu.memory_space<semaphore_mem>>)
      %mul3A_351 = arith.constant 64 : i32
      %mul3A_352 = arith.muli %mul3A_351, %scan3A_256 : i32
      %sub3A_353 = arith.constant 4088 : i32
      %sub3A_354 = arith.subi %sub3A_353, %mul3A_352 : i32
      %sub3A_355 = arith.constant 32 : i32
      %sub3A_356 = arith.subi %sub3A_354, %sub3A_355 : i32
      %multiple_of3A_357 = tpu.assume_multiple %sub3A_356, 8 : i32
      %add3A_358 = arith.constant 96 : i32
      %add3A_359 = arith.addi %mul3A_32, %add3A_358 : i32
      %mul3A_360 = arith.constant 8 : i32
      %mul3A_361 = arith.muli %mul3A_360, %scan3A_256 : i32
      %add3A_362 = arith.addi %add3A_359, %mul3A_361 : i32
      %add3A_363 = arith.constant 4 : i32
      %add3A_364 = arith.addi %add3A_362, %add3A_363 : i32
      %mul3A_365 = arith.constant 8 : i32
      %mul3A_366 = arith.muli %mul3A_365, %add3A_364 : i32
      %add3A_367 = arith.addi %select_n3A_9, %mul3A_366 : i32
      %mul3A_368 = arith.constant 1024 : i32
      %mul3A_369 = arith.muli %add3A_367, %mul3A_368 : i32
      %multiple_of3A_370 = tpu.assume_multiple %mul3A_369, 8 : i32
      %dma_start3A_371 = tpu.memref_slice %arg7[%multiple_of3A_357] : memref<5120xf32, #tpu.memory_space<vmem>> -> memref<1024xf32, #tpu.memory_space<vmem>>
      %dma_start3A_372 = tpu.memref_slice %arg4[%multiple_of3A_370] : memref<4194304xf32, #tpu.memory_space<hbm>> -> memref<1024xf32, #tpu.memory_space<hbm>>
      %dma_start3A_373 = tpu.memref_slice %arg4[%multiple_of3A_370] : memref<4194304xf32, #tpu.memory_space<hbm>> -> memref<1024xf32, #tpu.memory_space<hbm>>
      %dma_start3A_374 = tpu.memref_slice %arg7[%multiple_of3A_357] : memref<5120xf32, #tpu.memory_space<vmem>> -> memref<1024xf32, #tpu.memory_space<vmem>>
      tpu.enqueue_dma source(%dma_start3A_374 : memref<1024xf32, #tpu.memory_space<vmem>>) target(%dma_start3A_373 : memref<1024xf32, #tpu.memory_space<hbm>>) target_semaphore(%arg8 : memref<!tpu.dma_semaphore, #tpu.memory_space<semaphore_mem>>)
      %mul3A_375 = arith.constant 64 : i32
      %mul3A_376 = arith.muli %mul3A_375, %scan3A_256 : i32
      %sub3A_377 = arith.constant 4088 : i32
      %sub3A_378 = arith.subi %sub3A_377, %mul3A_376 : i32
      %sub3A_379 = arith.constant 40 : i32
      %sub3A_380 = arith.subi %sub3A_378, %sub3A_379 : i32
      %multiple_of3A_381 = tpu.assume_multiple %sub3A_380, 8 : i32
      %add3A_382 = arith.constant 96 : i32
      %add3A_383 = arith.addi %mul3A_32, %add3A_382 : i32
      %mul3A_384 = arith.constant 8 : i32
      %mul3A_385 = arith.muli %mul3A_384, %scan3A_256 : i32
      %add3A_386 = arith.addi %add3A_383, %mul3A_385 : i32
      %add3A_387 = arith.constant 5 : i32
      %add3A_388 = arith.addi %add3A_386, %add3A_387 : i32
      %mul3A_389 = arith.constant 8 : i32
      %mul3A_390 = arith.muli %mul3A_389, %add3A_388 : i32
      %add3A_391 = arith.addi %select_n3A_9, %mul3A_390 : i32
      %mul3A_392 = arith.constant 1024 : i32
      %mul3A_393 = arith.muli %add3A_391, %mul3A_392 : i32
      %multiple_of3A_394 = tpu.assume_multiple %mul3A_393, 8 : i32
      %dma_start3A_395 = tpu.memref_slice %arg7[%multiple_of3A_381] : memref<5120xf32, #tpu.memory_space<vmem>> -> memref<1024xf32, #tpu.memory_space<vmem>>
      %dma_start3A_396 = tpu.memref_slice %arg4[%multiple_of3A_394] : memref<4194304xf32, #tpu.memory_space<hbm>> -> memref<1024xf32, #tpu.memory_space<hbm>>
      %dma_start3A_397 = tpu.memref_slice %arg4[%multiple_of3A_394] : memref<4194304xf32, #tpu.memory_space<hbm>> -> memref<1024xf32, #tpu.memory_space<hbm>>
      %dma_start3A_398 = tpu.memref_slice %arg7[%multiple_of3A_381] : memref<5120xf32, #tpu.memory_space<vmem>> -> memref<1024xf32, #tpu.memory_space<vmem>>
      tpu.enqueue_dma source(%dma_start3A_398 : memref<1024xf32, #tpu.memory_space<vmem>>) target(%dma_start3A_397 : memref<1024xf32, #tpu.memory_space<hbm>>) target_semaphore(%arg8 : memref<!tpu.dma_semaphore, #tpu.memory_space<semaphore_mem>>)
      %mul3A_399 = arith.constant 64 : i32
      %mul3A_400 = arith.muli %mul3A_399, %scan3A_256 : i32
      %sub3A_401 = arith.constant 4088 : i32
      %sub3A_402 = arith.subi %sub3A_401, %mul3A_400 : i32
      %sub3A_403 = arith.constant 48 : i32
      %sub3A_404 = arith.subi %sub3A_402, %sub3A_403 : i32
      %multiple_of3A_405 = tpu.assume_multiple %sub3A_404, 8 : i32
      %add3A_406 = arith.constant 96 : i32
      %add3A_407 = arith.addi %mul3A_32, %add3A_406 : i32
      %mul3A_408 = arith.constant 8 : i32
      %mul3A_409 = arith.muli %mul3A_408, %scan3A_256 : i32
      %add3A_410 = arith.addi %add3A_407, %mul3A_409 : i32
      %add3A_411 = arith.constant 6 : i32
      %add3A_412 = arith.addi %add3A_410, %add3A_411 : i32
      %mul3A_413 = arith.constant 8 : i32
      %mul3A_414 = arith.muli %mul3A_413, %add3A_412 : i32
      %add3A_415 = arith.addi %select_n3A_9, %mul3A_414 : i32
      %mul3A_416 = arith.constant 1024 : i32
      %mul3A_417 = arith.muli %add3A_415, %mul3A_416 : i32
      %multiple_of3A_418 = tpu.assume_multiple %mul3A_417, 8 : i32
      %dma_start3A_419 = tpu.memref_slice %arg7[%multiple_of3A_405] : memref<5120xf32, #tpu.memory_space<vmem>> -> memref<1024xf32, #tpu.memory_space<vmem>>
      %dma_start3A_420 = tpu.memref_slice %arg4[%multiple_of3A_418] : memref<4194304xf32, #tpu.memory_space<hbm>> -> memref<1024xf32, #tpu.memory_space<hbm>>
      %dma_start3A_421 = tpu.memref_slice %arg4[%multiple_of3A_418] : memref<4194304xf32, #tpu.memory_space<hbm>> -> memref<1024xf32, #tpu.memory_space<hbm>>
      %dma_start3A_422 = tpu.memref_slice %arg7[%multiple_of3A_405] : memref<5120xf32, #tpu.memory_space<vmem>> -> memref<1024xf32, #tpu.memory_space<vmem>>
      tpu.enqueue_dma source(%dma_start3A_422 : memref<1024xf32, #tpu.memory_space<vmem>>) target(%dma_start3A_421 : memref<1024xf32, #tpu.memory_space<hbm>>) target_semaphore(%arg8 : memref<!tpu.dma_semaphore, #tpu.memory_space<semaphore_mem>>)
      %mul3A_423 = arith.constant 64 : i32
      %mul3A_424 = arith.muli %mul3A_423, %scan3A_256 : i32
      %sub3A_425 = arith.constant 4088 : i32
      %sub3A_426 = arith.subi %sub3A_425, %mul3A_424 : i32
      %sub3A_427 = arith.constant 56 : i32
      %sub3A_428 = arith.subi %sub3A_426, %sub3A_427 : i32
      %multiple_of3A_429 = tpu.assume_multiple %sub3A_428, 8 : i32
      %add3A_430 = arith.constant 96 : i32
      %add3A_431 = arith.addi %mul3A_32, %add3A_430 : i32
      %mul3A_432 = arith.constant 8 : i32
      %mul3A_433 = arith.muli %mul3A_432, %scan3A_256 : i32
      %add3A_434 = arith.addi %add3A_431, %mul3A_433 : i32
      %add3A_435 = arith.constant 7 : i32
      %add3A_436 = arith.addi %add3A_434, %add3A_435 : i32
      %mul3A_437 = arith.constant 8 : i32
      %mul3A_438 = arith.muli %mul3A_437, %add3A_436 : i32
      %add3A_439 = arith.addi %select_n3A_9, %mul3A_438 : i32
      %mul3A_440 = arith.constant 1024 : i32
      %mul3A_441 = arith.muli %add3A_439, %mul3A_440 : i32
      %multiple_of3A_442 = tpu.assume_multiple %mul3A_441, 8 : i32
      %dma_start3A_443 = tpu.memref_slice %arg7[%multiple_of3A_429] : memref<5120xf32, #tpu.memory_space<vmem>> -> memref<1024xf32, #tpu.memory_space<vmem>>
      %dma_start3A_444 = tpu.memref_slice %arg4[%multiple_of3A_442] : memref<4194304xf32, #tpu.memory_space<hbm>> -> memref<1024xf32, #tpu.memory_space<hbm>>
      %dma_start3A_445 = tpu.memref_slice %arg4[%multiple_of3A_442] : memref<4194304xf32, #tpu.memory_space<hbm>> -> memref<1024xf32, #tpu.memory_space<hbm>>
      %dma_start3A_446 = tpu.memref_slice %arg7[%multiple_of3A_429] : memref<5120xf32, #tpu.memory_space<vmem>> -> memref<1024xf32, #tpu.memory_space<vmem>>
      tpu.enqueue_dma source(%dma_start3A_446 : memref<1024xf32, #tpu.memory_space<vmem>>) target(%dma_start3A_445 : memref<1024xf32, #tpu.memory_space<hbm>>) target_semaphore(%arg8 : memref<!tpu.dma_semaphore, #tpu.memory_space<semaphore_mem>>)
    }
    %scan3A_249 = arith.constant 4 : i32
    %scan3A_250 = arith.constant 0 : i32
    %scan3A_251 = arith.constant 0 : i32
    %scan3A_252 = arith.constant 16 : i32
    %scan3A_253 = arith.addi %scan3A_251, %scan3A_252 : i32
    %scan3A_254 = arith.constant 1 : i32
    scf.for %scan3A_256 = %scan3A_251 to %scan3A_253 step %scan3A_254  : i32 {
      %dma_wait3A = arith.constant 0 : i32
      %dma_wait3A_257 = tpu.memref_slice %arg7[%dma_wait3A] : memref<5120xf32, #tpu.memory_space<vmem>> -> memref<1024xf32, #tpu.memory_space<vmem>>
      %dma_wait3A_258 = arith.constant 0 : i32
      %dma_wait3A_259 = tpu.memref_slice %arg4[%dma_wait3A_258] : memref<4194304xf32, #tpu.memory_space<hbm>> -> memref<1024xf32, #tpu.memory_space<hbm>>
      %dma_wait3A_260 = arith.constant 0 : i32
      %dma_wait3A_261 = tpu.memref_slice %arg4[%dma_wait3A_260] : memref<4194304xf32, #tpu.memory_space<hbm>> -> memref<1024xf32, #tpu.memory_space<hbm>>
      %dma_wait3A_262 = arith.constant 0 : i32
      %dma_wait3A_263 = tpu.memref_slice %arg7[%dma_wait3A_262] : memref<5120xf32, #tpu.memory_space<vmem>> -> memref<1024xf32, #tpu.memory_space<vmem>>
      tpu.wait_dma2 semaphore(%arg8 : memref<!tpu.dma_semaphore, #tpu.memory_space<semaphore_mem>>) src(%dma_wait3A_263 : memref<1024xf32, #tpu.memory_space<vmem>>) dst(%dma_wait3A_261 : memref<1024xf32, #tpu.memory_space<hbm>>)
      %dma_wait3A_264 = arith.constant 0 : i32
      %dma_wait3A_265 = tpu.memref_slice %arg7[%dma_wait3A_264] : memref<5120xf32, #tpu.memory_space<vmem>> -> memref<1024xf32, #tpu.memory_space<vmem>>
      %dma_wait3A_266 = arith.constant 0 : i32
      %dma_wait3A_267 = tpu.memref_slice %arg4[%dma_wait3A_266] : memref<4194304xf32, #tpu.memory_space<hbm>> -> memref<1024xf32, #tpu.memory_space<hbm>>
      %dma_wait3A_268 = arith.constant 0 : i32
      %dma_wait3A_269 = tpu.memref_slice %arg4[%dma_wait3A_268] : memref<4194304xf32, #tpu.memory_space<hbm>> -> memref<1024xf32, #tpu.memory_space<hbm>>
      %dma_wait3A_270 = arith.constant 0 : i32
      %dma_wait3A_271 = tpu.memref_slice %arg7[%dma_wait3A_270] : memref<5120xf32, #tpu.memory_space<vmem>> -> memref<1024xf32, #tpu.memory_space<vmem>>
      tpu.wait_dma2 semaphore(%arg8 : memref<!tpu.dma_semaphore, #tpu.memory_space<semaphore_mem>>) src(%dma_wait3A_271 : memref<1024xf32, #tpu.memory_space<vmem>>) dst(%dma_wait3A_269 : memref<1024xf32, #tpu.memory_space<hbm>>)
      %dma_wait3A_272 = arith.constant 0 : i32
      %dma_wait3A_273 = tpu.memref_slice %arg7[%dma_wait3A_272] : memref<5120xf32, #tpu.memory_space<vmem>> -> memref<1024xf32, #tpu.memory_space<vmem>>
      %dma_wait3A_274 = arith.constant 0 : i32
      %dma_wait3A_275 = tpu.memref_slice %arg4[%dma_wait3A_274] : memref<4194304xf32, #tpu.memory_space<hbm>> -> memref<1024xf32, #tpu.memory_space<hbm>>
      %dma_wait3A_276 = arith.constant 0 : i32
      %dma_wait3A_277 = tpu.memref_slice %arg4[%dma_wait3A_276] : memref<4194304xf32, #tpu.memory_space<hbm>> -> memref<1024xf32, #tpu.memory_space<hbm>>
      %dma_wait3A_278 = arith.constant 0 : i32
      %dma_wait3A_279 = tpu.memref_slice %arg7[%dma_wait3A_278] : memref<5120xf32, #tpu.memory_space<vmem>> -> memref<1024xf32, #tpu.memory_space<vmem>>
      tpu.wait_dma2 semaphore(%arg8 : memref<!tpu.dma_semaphore, #tpu.memory_space<semaphore_mem>>) src(%dma_wait3A_279 : memref<1024xf32, #tpu.memory_space<vmem>>) dst(%dma_wait3A_277 : memref<1024xf32, #tpu.memory_space<hbm>>)
      %dma_wait3A_280 = arith.constant 0 : i32
      %dma_wait3A_281 = tpu.memref_slice %arg7[%dma_wait3A_280] : memref<5120xf32, #tpu.memory_space<vmem>> -> memref<1024xf32, #tpu.memory_space<vmem>>
      %dma_wait3A_282 = arith.constant 0 : i32
      %dma_wait3A_283 = tpu.memref_slice %arg4[%dma_wait3A_282] : memref<4194304xf32, #tpu.memory_space<hbm>> -> memref<1024xf32, #tpu.memory_space<hbm>>
      %dma_wait3A_284 = arith.constant 0 : i32
      %dma_wait3A_285 = tpu.memref_slice %arg4[%dma_wait3A_284] : memref<4194304xf32, #tpu.memory_space<hbm>> -> memref<1024xf32, #tpu.memory_space<hbm>>
      %dma_wait3A_286 = arith.constant 0 : i32
      %dma_wait3A_287 = tpu.memref_slice %arg7[%dma_wait3A_286] : memref<5120xf32, #tpu.memory_space<vmem>> -> memref<1024xf32, #tpu.memory_space<vmem>>
      tpu.wait_dma2 semaphore(%arg8 : memref<!tpu.dma_semaphore, #tpu.memory_space<semaphore_mem>>) src(%dma_wait3A_287 : memref<1024xf32, #tpu.memory_space<vmem>>) dst(%dma_wait3A_285 : memref<1024xf32, #tpu.memory_space<hbm>>)
      %dma_wait3A_288 = arith.constant 0 : i32
      %dma_wait3A_289 = tpu.memref_slice %arg7[%dma_wait3A_288] : memref<5120xf32, #tpu.memory_space<vmem>> -> memref<1024xf32, #tpu.memory_space<vmem>>
      %dma_wait3A_290 = arith.constant 0 : i32
      %dma_wait3A_291 = tpu.memref_slice %arg4[%dma_wait3A_290] : memref<4194304xf32, #tpu.memory_space<hbm>> -> memref<1024xf32, #tpu.memory_space<hbm>>
      %dma_wait3A_292 = arith.constant 0 : i32
      %dma_wait3A_293 = tpu.memref_slice %arg4[%dma_wait3A_292] : memref<4194304xf32, #tpu.memory_space<hbm>> -> memref<1024xf32, #tpu.memory_space<hbm>>
      %dma_wait3A_294 = arith.constant 0 : i32
      %dma_wait3A_295 = tpu.memref_slice %arg7[%dma_wait3A_294] : memref<5120xf32, #tpu.memory_space<vmem>> -> memref<1024xf32, #tpu.memory_space<vmem>>
      tpu.wait_dma2 semaphore(%arg8 : memref<!tpu.dma_semaphore, #tpu.memory_space<semaphore_mem>>) src(%dma_wait3A_295 : memref<1024xf32, #tpu.memory_space<vmem>>) dst(%dma_wait3A_293 : memref<1024xf32, #tpu.memory_space<hbm>>)
      %dma_wait3A_296 = arith.constant 0 : i32
      %dma_wait3A_297 = tpu.memref_slice %arg7[%dma_wait3A_296] : memref<5120xf32, #tpu.memory_space<vmem>> -> memref<1024xf32, #tpu.memory_space<vmem>>
      %dma_wait3A_298 = arith.constant 0 : i32
      %dma_wait3A_299 = tpu.memref_slice %arg4[%dma_wait3A_298] : memref<4194304xf32, #tpu.memory_space<hbm>> -> memref<1024xf32, #tpu.memory_space<hbm>>
      %dma_wait3A_300 = arith.constant 0 : i32
      %dma_wait3A_301 = tpu.memref_slice %arg4[%dma_wait3A_300] : memref<4194304xf32, #tpu.memory_space<hbm>> -> memref<1024xf32, #tpu.memory_space<hbm>>
      %dma_wait3A_302 = arith.constant 0 : i32
      %dma_wait3A_303 = tpu.memref_slice %arg7[%dma_wait3A_302] : memref<5120xf32, #tpu.memory_space<vmem>> -> memref<1024xf32, #tpu.memory_space<vmem>>
      tpu.wait_dma2 semaphore(%arg8 : memref<!tpu.dma_semaphore, #tpu.memory_space<semaphore_mem>>) src(%dma_wait3A_303 : memref<1024xf32, #tpu.memory_space<vmem>>) dst(%dma_wait3A_301 : memref<1024xf32, #tpu.memory_space<hbm>>)
      %dma_wait3A_304 = arith.constant 0 : i32
      %dma_wait3A_305 = tpu.memref_slice %arg7[%dma_wait3A_304] : memref<5120xf32, #tpu.memory_space<vmem>> -> memref<1024xf32, #tpu.memory_space<vmem>>
      %dma_wait3A_306 = arith.constant 0 : i32
      %dma_wait3A_307 = tpu.memref_slice %arg4[%dma_wait3A_306] : memref<4194304xf32, #tpu.memory_space<hbm>> -> memref<1024xf32, #tpu.memory_space<hbm>>
      %dma_wait3A_308 = arith.constant 0 : i32
      %dma_wait3A_309 = tpu.memref_slice %arg4[%dma_wait3A_308] : memref<4194304xf32, #tpu.memory_space<hbm>> -> memref<1024xf32, #tpu.memory_space<hbm>>
      %dma_wait3A_310 = arith.constant 0 : i32
      %dma_wait3A_311 = tpu.memref_slice %arg7[%dma_wait3A_310] : memref<5120xf32, #tpu.memory_space<vmem>> -> memref<1024xf32, #tpu.memory_space<vmem>>
      tpu.wait_dma2 semaphore(%arg8 : memref<!tpu.dma_semaphore, #tpu.memory_space<semaphore_mem>>) src(%dma_wait3A_311 : memref<1024xf32, #tpu.memory_space<vmem>>) dst(%dma_wait3A_309 : memref<1024xf32, #tpu.memory_space<hbm>>)
      %dma_wait3A_312 = arith.constant 0 : i32
      %dma_wait3A_313 = tpu.memref_slice %arg7[%dma_wait3A_312] : memref<5120xf32, #tpu.memory_space<vmem>> -> memref<1024xf32, #tpu.memory_space<vmem>>
      %dma_wait3A_314 = arith.constant 0 : i32
      %dma_wait3A_315 = tpu.memref_slice %arg4[%dma_wait3A_314] : memref<4194304xf32, #tpu.memory_space<hbm>> -> memref<1024xf32, #tpu.memory_space<hbm>>
      %dma_wait3A_316 = arith.constant 0 : i32
      %dma_wait3A_317 = tpu.memref_slice %arg4[%dma_wait3A_316] : memref<4194304xf32, #tpu.memory_space<hbm>> -> memref<1024xf32, #tpu.memory_space<hbm>>
      %dma_wait3A_318 = arith.constant 0 : i32
      %dma_wait3A_319 = tpu.memref_slice %arg7[%dma_wait3A_318] : memref<5120xf32, #tpu.memory_space<vmem>> -> memref<1024xf32, #tpu.memory_space<vmem>>
      tpu.wait_dma2 semaphore(%arg8 : memref<!tpu.dma_semaphore, #tpu.memory_space<semaphore_mem>>) src(%dma_wait3A_319 : memref<1024xf32, #tpu.memory_space<vmem>>) dst(%dma_wait3A_317 : memref<1024xf32, #tpu.memory_space<hbm>>)
    }
    %scan3A_255 = arith.constant 16 : i32
    return
  }
}

module attributes {stable_mosaic.version = 14 : i64} {
  func.func @_tc_body(%arg0: i32, %arg1: memref<16xi32, #tpu.memory_space<smem>>, %arg2: memref<257xf32, #tpu.memory_space<smem>>, %arg3: memref<512x8x128xf32, #tpu.memory_space<vmem>>, %arg4: memref<512x4096xf32, #tpu.memory_space<vmem>>) attributes {dimension_semantics = [#tpu.dimension_semantics<arbitrary>], iteration_bounds = array<i64: 8>, scalar_prefetch = 0 : i64, scratch_operands = 0 : i64, tpu.core_type = #tpu.core_type<tc>, window_params = [{transform_indices = @transform_0, window_bounds = array<i64: 16>}, {transform_indices = @transform_1, window_bounds = array<i64: 257>}, {transform_indices = @transform_2, window_bounds = array<i64: 512, 8, 128>}, {transform_indices = @transform_3, window_bounds = array<i64: 512, 4096>}]} {
    %mul3A = arith.constant 512 : i32
    %mul3A_0 = arith.muli %arg0, %mul3A : i32
    %get3A = arith.constant 0 : index
    %get3A_1 = memref.load %arg1[%get3A] : memref<16xi32, #tpu.memory_space<smem>>
    %get3A_2 = arith.constant 0 : index
    %get3A_3 = memref.load %arg2[%get3A_2] : memref<257xf32, #tpu.memory_space<smem>>
    %get3A_4 = arith.constant 256 : index
    %get3A_5 = memref.load %arg2[%get3A_4] : memref<257xf32, #tpu.memory_space<smem>>
    %sub3A = arith.subi %mul3A_0, %get3A_1 : i32
    %sub3A_6 = arith.constant 129 : i32
    %sub3A_7 = arith.subi %sub3A, %sub3A_6 : i32
    %shift_right_arithmetic3A = arith.constant 7 : i32
    %shift_right_arithmetic3A_8 = arith.shrsi %sub3A_7, %shift_right_arithmetic3A : i32
    %mul3A_9 = arith.constant 128 : i32
    %mul3A_10 = arith.muli %shift_right_arithmetic3A_8, %mul3A_9 : i32
    %jit3A = arith.constant 0 : i32
    %jit3A_11 = arith.constant 3072 : i32
    %max3A = arith.maxsi %jit3A, %mul3A_10 : i32
    %min3A = arith.minsi %jit3A_11, %max3A : i32
    %iota3A = tpu.iota {dimensions = array<i32: 1>} : vector<512x4096xi32>
    %add3A = arith.constant 512 : i32
    %add3A_12 = arith.addi %min3A, %add3A : i32
    %lt3A = vector.broadcast %add3A_12 : i32 to vector<512x4096xi32>
    %lt3A_13 = arith.cmpi slt, %iota3A, %lt3A : vector<512x4096xi32>
    %broadcast_in_dim3A = vector.broadcast %get3A_3 : f32 to vector<512x4096xf32>
    %broadcast_in_dim3A_14 = vector.broadcast %get3A_5 : f32 to vector<512x4096xf32>
    %select_n3A = arith.select %lt3A_13, %broadcast_in_dim3A, %broadcast_in_dim3A_14 : vector<512x4096xi1>, vector<512x4096xf32>
    %swap3A = arith.constant 0 : index
    %swap3A_15 = arith.constant 0 : index
    %swap3A_16 = vector.load %arg4[%swap3A, %swap3A_15] : memref<512x4096xf32, #tpu.memory_space<vmem>>, vector<512x4096xf32>
    tpu.vector_store %arg4[%swap3A, %swap3A_15], %select_n3A {strides = array<i32>} : memref<512x4096xf32, #tpu.memory_space<vmem>>, vector<512x4096xf32>,
    %get3A_17 = arith.constant 0 : index
    %get3A_18 = arith.constant 0 : index
    %get3A_19 = arith.constant 0 : index
    %get3A_20 = vector.load %arg3[%get3A_17, %get3A_18, %get3A_19] : memref<512x8x128xf32, #tpu.memory_space<vmem>>, vector<512x8x128xf32>
    %reshape3A = vector.shape_cast %get3A_20 : vector<512x8x128xf32> to vector<512x1024xf32>
    %iota3A_21 = tpu.iota {dimensions = array<i32: 0>} : vector<512x1024xi32>
    %add3A_22 = vector.broadcast %mul3A_0 : i32 to vector<512x1024xi32>
    %add3A_23 = arith.addi %add3A_22, %iota3A_21 : vector<512x1024xi32>
    %iota3A_24 = tpu.iota {dimensions = array<i32: 1>} : vector<512x1024xi32>
    %add3A_25 = vector.broadcast %min3A : i32 to vector<512x1024xi32>
    %add3A_26 = arith.addi %add3A_25, %iota3A_24 : vector<512x1024xi32>
    %sub3A_27 = arith.subi %add3A_26, %add3A_23 : vector<512x1024xi32>
    %add3A_28 = vector.broadcast %get3A_1 : i32 to vector<512x1024xi32>
    %add3A_29 = arith.addi %sub3A_27, %add3A_28 : vector<512x1024xi32>
    %le3A = arith.constant -128 : i32
    %le3A_30 = vector.broadcast %le3A : i32 to vector<512x1024xi32>
    %le3A_31 = arith.cmpi sle, %add3A_29, %le3A_30 : vector<512x1024xi32>
    %ge3A = arith.constant 128 : i32
    %ge3A_32 = vector.broadcast %ge3A : i32 to vector<512x1024xi32>
    %ge3A_33 = arith.cmpi sge, %add3A_29, %ge3A_32 : vector<512x1024xi32>
    %broadcast_in_dim3A_34 = vector.broadcast %get3A_5 : f32 to vector<512x1024xf32>
    %select_n3A_35 = arith.select %ge3A_33, %broadcast_in_dim3A_34, %reshape3A : vector<512x1024xi1>, vector<512x1024xf32>
    %broadcast_in_dim3A_36 = vector.broadcast %get3A_3 : f32 to vector<512x1024xf32>
    %select_n3A_37 = arith.select %le3A_31, %broadcast_in_dim3A_36, %select_n3A_35 : vector<512x1024xi1>, vector<512x1024xf32>
    %multiple_of3A = tpu.assume_multiple %min3A, 128 : i32
    %swap3A_38 = arith.constant 0 : index
    %swap3A_39 = arith.index_cast %multiple_of3A : i32 to index
    %swap3A_40 = vector.load %arg4[%swap3A_38, %swap3A_39] : memref<512x4096xf32, #tpu.memory_space<vmem>>, vector<512x1024xf32>
    tpu.vector_store %arg4[%swap3A_38, %swap3A_39], %select_n3A_37 {strides = array<i32>} : memref<512x4096xf32, #tpu.memory_space<vmem>>, vector<512x1024xf32>,
    return
  }
  func.func @transform_0(%arg0: i32) -> i32 {
    %c0_i32 = arith.constant 0 : i32
    %c0_i32_0 = arith.constant 0 : i32
    return %c0_i32 : i32
  }
  func.func @transform_1(%arg0: i32) -> i32 {
    %c0_i32 = arith.constant 0 : i32
    %c0_i32_0 = arith.constant 0 : i32
    return %c0_i32 : i32
  }
  func.func @transform_2(%arg0: i32) -> (i32, i32, i32) {
    %c0_i32 = arith.constant 0 : i32
    %c0_i32_0 = arith.constant 0 : i32
    %c0_i32_1 = arith.constant 0 : i32
    return %arg0, %c0_i32, %c0_i32_0 : i32, i32, i32
  }
  func.func @transform_3(%arg0: i32) -> (i32, i32) {
    %c0_i32 = arith.constant 0 : i32
    %c0_i32_0 = arith.constant 0 : i32
    return %arg0, %c0_i32 : i32, i32
  }
}

</mosaic_0001>

<sc_bundles>
// kernel: _rel_pos.4.cloned.1.call-start
scs
__scs_entry_jumppad:
0x0: {  	(pc) =	sbr.rel $0x88, $3  }
0x1: {  	(tag) =	ssettag $0x0;
	lr =	simm.s32 $0x1  }
0x2: {  	[smem:$0x3F9F] =	sst lr;
	_ =	strace $0xD0000000  }
0x3: {  	_ = 	snop  }
0x4: {  	_ = 	snop  }
0x5: {  	_ = 	snop  }
0x6: {  	_ = 	snop  }
0x7: {  	_ = 	snop  }
__scs_overlays_trampoline_lowered:
0x8: {  	[smem:$0x3FAE] =	sst s0  }
0x9: {  	[smem:$0x3FAF] =	sst s1  }
0xa: {  	[smem:$0x3FB0] =	sst s2  }
0xb: {  	[smem:$0x3FB1] =	sst s3  }
0xc: {  	[smem:$0x3FB2] =	sst s4  }
0xd: {  	[smem:$0x3FB3] =	sst s5  }
0xe: {  	[smem:$0x3FB4] =	sst s6  }
0xf: {  	[smem:$0x3FB5] =	sst s7  }
0x10: {  	[smem:$0x3FB6] =	sst s8  }
0x11: {  	[smem:$0x3FB7] =	sst s9;
	s0 =	simm.s32 @!p0 $0x0  }
0x12: {  	s1 =	sld [smem:$0x3F9D];
	s0 =	simm.s32 @p0 $0x1  }
0x13: {  	[smem:$0x3FB8] =	sst s0;
	s0 =	simm.s32 @!p1 $0x0  }
0x14: {  	s2 =	sld [smem:$0x3F9C];
	s0 =	simm.s32 @p1 $0x1  }
0x15: {  	[smem:$0x3FB9] =	sst s0;
	s0 =	simm.s32 @!p2 $0x0  }
0x16: {  	s3 =	sld [smem:$0x3FDB];
	s0 =	simm.s32 @p2 $0x1  }
0x17: {  	s4 =	simm.s32 $0x1BF5;
	[smem:$0x3FBB] =	sst s0  }
0x18: {  	s0 =	sld [smem:$0x3F9E];
	_ =	swait.ge [sflag:s4], $0x0  }
0x19: {  	s7 =	sld [smem:$0x3F9F]  }
0x1a: {  	s8 =	sadd.s32 $0xFFFFE003, lr  }
0x1b: {  	s9 =	sadd.s32 $0xFFFFFEF7, lr;
	s5 =	simm.s32 $0xFFFFFFFF;
	p2 =	slt.u32 s8, $0xFFFFF086  }
0x1c: {  	p1 =	slt.u32 s9, $0xF7A;
	s5 =	simm.s32 @!p2 $0x0  }
0x1d: {  	s5 =	simm.s32 @p1 $0x1;
	p0 =	seq.s32 s7, s2  }
0x1e: {  	s7 =	smul.u32 @!p0 $0xF7A, s2;
	p2 =	seq.s32 @!p0 s5, $0x0  }
0x1f: {  	s9 =	smul.u32 $0xF7A, s1;
	s8 =	simm.s32 @!p0 $0x1BF5;
	p2 =	por !p2, p0  }
0x20: {  	[sflag:s8] =	ssyncset.s32 @!p0 $0xFFFFF086;
	s6 =	sadd.s32 @!p0 s3, s7;
	s7 =	simm.s32 @!p0 $0x108  }
0x21: {  	s3 =	sadd.s32 s3, s9;
	s6 =	sadd.s32 @!p0 $0x88, s6;
	s7 =	simm.s32 @p2 $0x1082  }
0x22: {  	[simem:s7], [sflag:s8] =	dma.local @!p0 [hbm:s6], $0xF7A  }
0x23: {  	s9 =	sor.u32 $0xD0000000, s2;
	s6 =	simm.s32 $0x108;
	_ =	swait.ge @!p0 [sflag:s8], $0x0  }
0x24: {  	s3 =	sadd.s32 $0x88, s3;
	s6 =	simm.s32 @!p1 $0x1082;
	[sflag:s4] =	ssyncset.s32 $0xFFFFF086  }
0x25: {  	[simem:s6], [sflag:s4] =	dma.local [hbm:s3], $0xF7A  }
0x26: {  	[smem:$0x3F9F] =	sst s1;
	(tag) =	ssettag s2;
	_ =	strace s9  }
0x27: {  	s1 =	sld [smem:$0x3FAF]  }
0x28: {  	s2 =	sld [smem:$0x3FB0]  }
0x29: {  	s4 =	sld [smem:$0x3FB2]  }
0x2a: {  	p0 =	seq.s32 s5, $0x0;
	s5 =	sld [smem:$0x3FB3]  }
0x2b: {  	s6 =	sld [smem:$0x3FB4]  }
0x2c: {  	s7 =	sld [smem:$0x3FB5]  }
0x2d: {  	s3 =	simm.s32 $0x108;
	s8 =	sld [smem:$0x3FB6]  }
0x2e: {  	s3 =	simm.s32 @!p0 $0x1082;
	s9 =	sld [smem:$0x3FB7]  }
0x2f: {  	lr =	sadd.s32 s0, s3;
	s0 =	sld [smem:$0x3FAE]  }
0x30: {  	s3 =	sld [smem:$0x3FB1]  }
0x31: {  	[smem:$0x3FBA] =	sst s10  }
0x32: {  	s10 =	sld [smem:$0x3FB8];
	_ =	sdelay $0x3  }
0x33: {  	p0 =	seq.s32 s10, $0x1;
	s10 =	sld [smem:$0x3FBA];
	_ =	sdelay $0x3  }
0x34: {  	[smem:$0x3FBA] =	sst s10  }
0x35: {  	s10 =	sld [smem:$0x3FB9];
	_ =	sdelay $0x3  }
0x36: {  	p1 =	seq.s32 s10, $0x1;
	s10 =	sld [smem:$0x3FBA];
	_ =	sdelay $0x3  }
0x37: {  	[smem:$0x3FBA] =	sst s10  }
0x38: {  	s10 =	sld [smem:$0x3FBB]  }
0x39: {  	_ = 	snop;
	(pc) =	sbr.ind lr, $3  }
0x3a: {  	_ = 	snop  }
0x3b: {  	_ = 	snop  }
0x3c: {  	p2 =	seq.s32 s10, $0x1;
	s10 =	sld [smem:$0x3FBA]  }
0x3d: {  	_ =	shalt  }
0x3e: {  	_ =	shalt  }
0x3f: {  	_ =	shalt  }
0x40: {  	_ =	shalt  }
0x41: {  	_ =	shalt  }
0x42: {  	_ =	shalt  }
0x43: {  	_ =	shalt  }
0x44: {  	_ =	shalt  }
0x45: {  	_ =	shalt  }
0x46: {  	_ =	shalt  }
0x47: {  	_ =	shalt  }
0x48: {  	_ =	shalt  }
0x49: {  	_ =	shalt  }
0x4a: {  	_ =	shalt  }
0x4b: {  	_ =	shalt  }
0x4c: {  	_ =	shalt  }
0x4d: {  	_ =	shalt  }
0x4e: {  	_ =	shalt  }
0x4f: {  	_ =	shalt  }
0x50: {  	_ =	shalt  }
0x51: {  	_ =	shalt  }
0x52: {  	_ =	shalt  }
0x53: {  	_ =	shalt  }
0x54: {  	_ =	shalt  }
0x55: {  	_ =	shalt  }
0x56: {  	_ =	shalt  }
0x57: {  	_ =	shalt  }
0x58: {  	_ =	shalt  }
0x59: {  	_ =	shalt  }
0x5a: {  	_ =	shalt  }
0x5b: {  	_ =	shalt  }
0x5c: {  	_ =	shalt  }
0x5d: {  	_ =	shalt  }
0x5e: {  	_ =	shalt  }
0x5f: {  	_ =	shalt  }
0x60: {  	_ =	shalt  }
0x61: {  	_ =	shalt  }
0x62: {  	_ =	shalt  }
0x63: {  	_ =	shalt  }
0x64: {  	_ =	shalt  }
0x65: {  	_ =	shalt  }
0x66: {  	_ =	shalt  }
0x67: {  	_ =	shalt  }
0x68: {  	_ =	shalt  }
0x69: {  	_ =	shalt  }
0x6a: {  	_ =	shalt  }
0x6b: {  	_ =	shalt  }
0x6c: {  	_ =	shalt  }
0x6d: {  	_ =	shalt  }
0x6e: {  	_ =	shalt  }
0x6f: {  	_ =	shalt  }
0x70: {  	_ =	shalt  }
0x71: {  	_ =	shalt  }
0x72: {  	_ =	shalt  }
0x73: {  	_ =	shalt  }
0x74: {  	_ =	shalt  }
0x75: {  	_ =	shalt  }
0x76: {  	_ =	shalt  }
0x77: {  	_ =	shalt  }
0x78: {  	_ =	shalt  }
0x79: {  	_ =	shalt  }
0x7a: {  	_ =	shalt  }
0x7b: {  	_ =	shalt  }
0x7c: {  	_ =	shalt  }
0x7d: {  	_ =	shalt  }
0x7e: {  	_ =	shalt  }
0x7f: {  	_ =	shalt  }
0x80: {  	_ =	shalt  }
0x81: {  	_ =	shalt  }
0x82: {  	_ =	shalt  }
0x83: {  	_ =	shalt  }
0x84: {  	_ =	shalt  }
0x85: {  	_ =	shalt  }
0x86: {  	_ =	shalt  }
0x87: {  	_ =	shalt  }
.Lfunc_end0:
.L_simem_size_0:
called_computation_lowered:
.L_overlay_start_0:
0x88: {  	s2 =	sld [smem:$0x3FD9]  }
0x89: {  	s3 =	sld [smem:$0x3FFE];
	_ =	sdelay $0x1  }
0x8a: {  	s1 =	srdreg.scid  }
0x8b: {  	s0 =	sand.u32 $0x1, s1  }
0x8c: {  	s18 =	sshll.u32 s0, $0xA;
	s2 =	sadd.s32 s3, s2  }
0x8d: {  	s2 =	sadd.s32 s2, s18  }
0x8e: {  	[smem:$0x3FC6] =	sst s2  }
0x8f: {  	_ = 	snop  }
0x90: {  	s2 =	sld [smem:$0x3FC9]  }
0x91: {  	s19 =	sld [smem:$0x3FC8]  }
0x92: {  	s4 =	sld [smem:$0x3FD0];
	(tm) =	ssettm $0x1  }
0x93: {  	s5 =	sld [smem:$0x3FFB];
	_ =	sdelay $0x3  }
0x94: {  	_ =	strace s5  }
0x95: {  	s5 =	sld [smem:$0x3FFC];
	_ =	sdelay $0x3  }
0x96: {  	_ =	strace s5  }
0x97: {  	s5 =	sld [smem:$0x3FFD];
	_ =	sdelay $0x3  }
0x98: {  	_ =	strace s5  }
0x99: {  	_ =	strace $0x8FFFFFFF  }
0x9a: {  	s20 =	sld [smem:$0x3FDB];
	_ =	sdelay $0x1  }
0x9b: {  	s6 =	simm.s32 $_scs_section_size  }
0x9c: {  	s7 =	simm.s32 $_size__tile_overlayer_lowered;
	s8 =	simm.s32 $_tile_overlayer_lowered  }
0x9d: {  	s23 =	simm.s32 $0x1BFF;
	s22 =	sshll.u32 s8, $0x1;
	s5 =	sadd.s32 s6, s20  }
0x9e: {  	s9 =	simm.s32 $0x0;
	s21 =	sshll.u32 s7, $0x1;
	s7 =	sadd.s32 s22, s5  }
0x9f: {  	[timem:s9], [sflag:s23] =	dma.local [hbm:s7], s21  }
0xa0: {  	_ =	swait.ge [sflag:s23], s21  }
0xa1: {  	s6 =	ssub.s32 $0x0, s21;
	[sflag:s23] =	ssyncset.done $0x0  }
0xa2: {  	[sflag:s23] =	ssyncadd.s32 s6;
	_ =	sdelay $0x1  }
0xa3: {  	s24 =	simm.s32 $0x1B8B  }
0xa4: {  	_ =	swait.ge [sflag:s24], $0x1  }
0xa5: {  	[sflag:s24] =	ssyncset.done $0x0  }
0xa6: {  	s25 =	simm.s32 $0x1B8E;
	[sflag:s24] =	ssyncadd.s32 $0xFFFFFFFF  }
0xa7: {  	s26 =	simm.s32 $execute0_lowered;
	[smem:$0x3FD2] =	sst s25  }
0xa8: {  	s6 =	sshll.u32 s26, $0x1;
	_ =	strace $0x80000046;
	[dreg:$0x1] =	wrdreg $0xFFFFFFFF  }
0xa9: {  	s28 =	simm.s32 $_size_execute0_lowered;
	s5 =	sadd.s32 s5, s6;
	[dreg:$0x0] =	wrdreg $0x0  }
0xaa: {  	s6 =	sshll.u32 s28, $0x1;
	[dreg:$0x2] =	wrdreg s5  }
0xab: {  	[dreg:$0x3] =	wrdreg s6  }
0xac: {  	[dreg:$0x4] =	wrdreg $0xC0  }
0xad: {  	_ =	task [dreg:s9], $0x5FFFF  }
0xae: {  	[dreg:$0x1] =	wrdreg $0xFFFFFFFF  }
0xaf: {  	[dreg:$0x0] =	wrdreg $0x60  }
0xb0: {  	[dreg:$0x2] =	wrdreg s2  }
0xb1: {  	[dreg:$0x3] =	wrdreg s19  }
0xb2: {  	[dreg:$0x4] =	wrdreg s4  }
0xb3: {  	[dreg:$0x5] =	wrdreg $0x9  }
0xb4: {  	_ =	task.clear_ibuf [dreg:s9], $0x6FFFF;
	_ =	strace $0x90000046  }
0xb5: {  	s29 =	simm.s32 $0x9;
	_ =	strace $0x80000048  }
0xb6: {  	_ =	swait.ge [sflag:s29], $0x1  }
0xb7: {  	[sflag:s29] =	ssyncadd.s32 $0xFFFFFFFF  }
0xb8: {  	_ =	strace $0x90000048  }
0xb9: {  	_ =	sfence  }
0xba: {  	s30 =	sld [smem:$0x0];
	_ =	sdelay $0x2  }
0xbb: {  	s31 =	sshll.u32 s1, $0xD;
	s1 =	sshrl.u32 s1, $0x2  }
0xbc: {  	s3 =	sand.u32 $0x4000, s31;
	s1 =	sadd.s32 s1, s30  }
0xbd: {  	s0 =	sor.u32 s3, s0;
	s1 =	sshll.u32 s1, $0x11  }
0xbe: {  	s0 =	sor.u32 s1, s0  }
0xbf: {  	s0 =	sadd.s32 $0x8F2B, s0  }
0xc0: {  	[sflag:s0] =	ssyncadd.remote.s32 $0x1  }
0xc1: {  	_ =	sfence.sel $0xFFFF  }
0xc2: {  	[dreg:$0x0] =	wrdreg $0xFFFFFFFF;
	(pc) =	sbr.abs _section_cstart, $3  }
0xc3: {  	[dreg:$0x1] =	wrdreg $0xFFFFFFFF  }
0xc4: {  	_ =	task.clear_ibuf [dreg:s9], $0x2FFFF;
	_ =	strace $0x9FFFFFFF  }
0xc5: {  	(tm) =	ssettm $0x7FFFFFFF  }
tec
execute0_lowered:
.L_overlay_start_1:
0x0: {  	(tag) =	ssettag $0x1  }
0x1: {  	s0 =	rddreg [dreg:$0x2];
	s1 =	srdreg.scid;
	s4 =	simm.s32 $0x0  }
0x2: {  	s11 =	stileid.u32;
	s1 =	sand.u32 $0x1, s1;
	[smem:$0x7FF] =	sst s4  }
0x3: {  	s3 =	sshll.u32 s11, $0x1;
	s25 =	sshrl.u32 s11, $0x2;
	s2 =	ssub.s32 $0x2, s1  }
0x4: {  	_ =	strace $0x80000047;
	s3 =	sand.u32 $0x6, s3;
	s7 =	sshll.u32 s25, $0xA  }
0x5: {  	s5 =	sshrl.u32 s2, $0x1;
	s3 =	sor.u32 s1, s3;
	s6 =	sadd.s32 $0xFFFFFF7F, s7  }
0x6: {  	s2 =	ssub.s32 s2, s5;
	s8 =	sshll.u32 s3, $0x7;
	s5 =	sshll.u32 s25, $0x11  }
0x7: {  	[dreg:$0x4] =	wrdreg s6;
	s6 =	sor.u32 s3, s7;
	s7 =	sor.u32 $0x17F, s7  }
0x8: {  	s26 =	sor.u32 s8, s5;
	[dreg:$0x5] =	wrdreg s7  }
0x9: {  	s28 =	sadd.s32 s0, s8;
	s2 =	smax.u32 s2, $0x1;
	s10 =	sor.u32 $0x2000, s5  }
0xa: {  	s15 =	sor.u32 $0x4000, s5;
	[dreg:$0x6] =	wrdreg s2;
	s29 =	sadd.s32 s5, s28  }
0xb: {  	s16 =	sor.u32 $0x6000, s5;
	s2 =	sadd.s32 s10, s28;
	[dreg:$0x7] =	wrdreg s29  }
0xc: {  	s13 =	sor.u32 s8, s10;
	s10 =	sadd.s32 s15, s28;
	[dreg:$0xd] =	wrdreg s2  }
0xd: {  	s3 =	sadd.s32 s26, s0;
	s7 =	sadd.s32 s16, s28;
	[dreg:$0xe] =	wrdreg s10  }
0xe: {  	s30 =	sadd.s32 $0x400, s3;
	[dreg:$0xf] =	wrdreg s7  }
0xf: {  	s31 =	sadd.s32 $0x800, s3;
	[dreg:$0x8] =	wrdreg s30  }
0x10: {  	s9 =	sadd.s32 $0xC00, s3;
	[dreg:$0x9] =	wrdreg s31  }
0x11: {  	s18 =	sand.u32 $0x3, s11;
	s12 =	sadd.s32 $0x1400, s3;
	[dreg:$0xa] =	wrdreg s9  }
0x12: {  	s20 =	sshll.u32 s18, $0x8;
	s19 =	sadd.s32 $0x1800, s3;
	[dreg:$0xc] =	wrdreg s12  }
0x13: {  	s18 =	simm.s32 $0x0;
	s9 =	sadd.s32 $0x1000, s3;
	[dreg:$0x10] =	wrdreg s19  }
0x14: {  	s14 =	sadd.s32 s13, s0;
	s3 =	sadd.s32 $0x1C00, s3;
	[dreg:$0xb] =	wrdreg s9  }
0x15: {  	s1 =	sshll.u32 s1, $0x7;
	s21 =	sadd.s32 $0x400, s14;
	[dreg:$0x11] =	wrdreg s3  }
0x16: {  	s17 =	sor.u32 s8, s16;
	s22 =	sadd.s32 $0x800, s14;
	[dreg:$0x12] =	wrdreg s21  }
0x17: {  	s16 =	simm.s32 $0x2;
	s23 =	sadd.s32 $0xC00, s14;
	[dreg:$0x13] =	wrdreg s22  }
0x18: {  	s13 =	sor.u32 $0x100, s6;
	s24 =	sadd.s32 $0x1000, s14;
	[dreg:$0x14] =	wrdreg s23  }
0x19: {  	s12 =	sadd.s32 s17, s0;
	s25 =	sadd.s32 $0x1400, s14;
	[dreg:$0x15] =	wrdreg s24  }
0x1a: {  	s26 =	sadd.s32 $0x1800, s14;
	s28 =	sadd.s32 $0x1C00, s14;
	[dreg:$0x16] =	wrdreg s25  }
0x1b: {  	s14 =	sor.u32 $0x200, s6;
	s17 =	simm.s32 $0x1;
	[dreg:$0x17] =	wrdreg s26  }
0x1c: {  	s9 =	sor.u32 s8, s15;
	[dreg:$0x18] =	wrdreg s28;
	s7 =	sadd.s32 $0x800, s12  }
0x1d: {  	s8 =	sadd.s32 $0xC00, s12;
	s10 =	sadd.s32 $0x1400, s12;
	s11 =	sadd.s32 $0x1800, s12  }
0x1e: {  	s15 =	sor.u32 $0x300, s6;
	s9 =	sadd.s32 s9, s0;
	s0 =	sadd.s32 s5, s0  }
0x1f: {  	s5 =	sadd.s32 $0x400, s12;
	s0 =	sadd.s32 s20, s0;
	s29 =	sadd.s32 $0x400, s9  }
0x20: {  	s30 =	sadd.s32 $0x800, s9;
	s31 =	sadd.s32 $0xC00, s9;
	[dreg:$0x19] =	wrdreg s29  }
0x21: {  	s3 =	sadd.s32 $0x1400, s9;
	s2 =	sadd.s32 $0x1C00, s9;
	[dreg:$0x1a] =	wrdreg s30  }
0x22: {  	s21 =	sadd.s32 s1, s0;
	[dreg:$0x1b] =	wrdreg s31;
	s0 =	sadd.s32 $0x1000, s9  }
0x23: {  	v0 =	vlaneseq.u32;
	s1 =	sadd.s32 $0x1800, s9;
	s9 =	sadd.s32 $0x1000, s12;
	s12 =	sadd.s32 $0x1C00, s12  }
.LBB2_1:
0x24: {  	s19 =	rddreg [dreg:$0x0]  }
0x25: {  	[tilespmem:s4], [sflag:$0x2] =	stream.linear.gather [hbm4b:s19+s4], $0x180, $0x38;
	[tilespmem:$0x1600] =	vst v63  }
0x26: {  	_ =	swait.ge [sflag:s16], $0x180  }
0x27: {  	[sflag:s16] =	ssyncset.done $0x0  }
0x28: {  	[sflag:s16] =	ssyncadd.s32 $0xFFFFFE80  }
0x29: {  	s20 =	simm.s32 $0x180;
	s29 =	rddreg [dreg:$0x1]  }
0x2a: {  	[tilespmem:s20], [sflag:$0x2] =	stream.linear.gather [hbm4b:s29+s4], $0x80, $0x38;
	[tilespmem:$0x1600] =	vst v63  }
0x2b: {  	_ =	swait.ge [sflag:s16], $0x80  }
0x2c: {  	[sflag:s16] =	ssyncset.done $0x0  }
0x2d: {  	[sflag:s16] =	ssyncadd.s32 $0xFFFFFF80  }
0x2e: {  	v1 =	vld [tilespmem:$0x180];
	_ =	sdelay $0x4  }
0x2f: {  	(v2sf) =	vpush v1, $0x0;
	_ =	sdelay $0xe  }
0x30: {  	s30 =	rddreg [dreg:$0x4];
	s19 =	spop (v2sf)  }
0x31: {  	s20 =	ssub.s32 s30, s19  }
0x32: {  	s20 =	sand.u32 $0xFFFFFF80, s20  }
0x33: {  	p0 =	sgt.s32 s20, $0x0  }
0x34: {  	s20 =	simm.s32 @!p0 $0x0  }
0x35: {  	s20 =	smin.u32 s20, $0xC00  }
0x36: {  	s22 =	ssub.s32 s20, s6  }
0x37: {  	s22 =	sadd.s32 $0xFFFFFF88, s22  }
0x38: {  	v1 =	vadd.s32 v0, v1;
	s23 =	sadd.s32 $0x0, s22  }
0x39: {  	v2 =	vadd.s32 s23, v1  }
0x3a: {  	vm0 =	vgt.s32 v2, $0x0  }
0x3b: {  	v2 =	vnsel vm0, $0x0, v2  }
0x3c: {  	v2 =	vmin.u32 v2, $0x100;
	_ =	sdelay $0x1  }
0x3d: {  	s31 =	sadd.s32 $0x10, s22  }
0x3e: {  	v3 =	vadd.s32 s31, v1  }
0x3f: {  	vm15 =	vgt.s32 v3, $0x0  }
0x40: {  	v3 =	vnsel vm15, $0x0, v3;
	v2 =	vld.idx.msk [tilespmem:v2+s4+$0x0], $0xffff  }
0x41: {  	v3 =	vmin.u32 v3, $0x100;
	_ =	sdelay $0x2  }
0x42: {  	s24 =	simm.s32 $0x30;
	s25 =	sadd.s32 $0x20, s22;
	s23 =	simm.s32 $0x200  }
.LBB2_2:
0x43: {  	p0 =	sne.s32 s24, $0x4F0;
	v4 =	vadd.s32 s25, v1;
	[tilespmem:s23+$0x0] =	vst v2  }
0x44: {  	vm0 =	vgt.s32 v4, $0x0;
	v2 =	vld.idx.msk [tilespmem:v3+s4+$0x0], $0xffff  }
.Ltmp0:
0x45: {  	v3 =	vnsel vm0, $0x0, v4;
	(pc) =	sbr.rel @p0 .LBB2_2-.Ltmp0, $2  }
0x46: {  	v3 =	vmin.u32 v3, $0x100;
	_ =	sdelay $0x2  }
0x47: {  	s25 =	sadd.s32 s22, s24;
	s24 =	sadd.s32 $0x10, s24;
	s23 =	sadd.s32 $0x10, s23  }
0x48: {  	_ =	sdelay $0x1  }
0x49: {  	v4 =	vadd.s32 s25, v1  }
0x4a: {  	[tilespmem:s23+$0x0] =	vst v2;
	vm0 =	vgt.s32 v4, $0x0  }
0x4b: {  	v2 =	vld.idx.msk [tilespmem:v3+s4+$0x0], $0xffff;
	v3 =	vnsel vm0, $0x0, v4  }
0x4c: {  	s20 =	ssub.s32 s20, s13;
	v3 =	vmin.u32 v3, $0x100  }
0x4d: {  	s22 =	sadd.s32 $0xFFFFFF88, s20  }
0x4e: {  	s20 =	sadd.s32 $0x0, s22  }
0x4f: {  	s29 =	sadd.s32 $0x10, s23;
	v4 =	vadd.s32 s20, v1  }
0x50: {  	vm14 =	vgt.s32 v4, $0x0;
	[tilespmem:s29+$0x0] =	vst v2  }
0x51: {  	v2 =	vld.idx.msk [tilespmem:v3+s4+$0x0], $0xffff;
	v3 =	vnsel vm14, $0x0, v4  }
0x52: {  	v3 =	vmin.u32 v3, $0x100;
	_ =	sdelay $0x1  }
0x53: {  	s30 =	sadd.s32 $0x10, s22  }
0x54: {  	s31 =	sadd.s32 $0x10, s29;
	v4 =	vadd.s32 s30, v1  }
0x55: {  	vm15 =	vgt.s32 v4, $0x0;
	[tilespmem:s31+$0x0] =	vst v2  }
0x56: {  	v2 =	vnsel vm15, $0x0, v4;
	v3 =	vld.idx.msk [tilespmem:v3+s4+$0x0], $0xffff  }
0x57: {  	v2 =	vmin.u32 v2, $0x100;
	_ =	sdelay $0x1  }
0x58: {  	s26 =	simm.s32 $0x0;
	s23 =	simm.s32 $0x10;
	s24 =	simm.s32 $0x30  }
0x59: {  	s26 =	sand.u32 $0x7F0, s26;
	s25 =	sadd.s32 $0x20, s22;
	s20 =	simm.s32 $0x20  }
.LBB2_4:
0x5a: {  	p0 =	sne.s32 s24, $0x4F0;
	v4 =	vadd.s32 s25, v1;
	[tilespmem:s26+$0x700] =	vst v3;
	s26 =	smov.u32 s23;
	s23 =	smov.u32 s20  }
0x5b: {  	s20 =	smov.u32 s24;
	vm0 =	vgt.s32 v4, $0x0;
	v3 =	vld.idx.msk [tilespmem:v2+s4+$0x0], $0xffff  }
.Ltmp1:
0x5c: {  	v2 =	vnsel vm0, $0x0, v4;
	(pc) =	sbr.rel @p0 .LBB2_4-.Ltmp1, $2  }
0x5d: {  	v2 =	vmin.u32 v2, $0x100;
	_ =	sdelay $0x2  }
0x5e: {  	s24 =	sadd.s32 $0x10, s24;
	s25 =	sadd.s32 s22, s20;
	s26 =	sand.u32 $0x7F0, s26  }
0x5f: {  	s22 =	rddreg [dreg:$0x5]  }
0x60: {  	s19 =	ssub.s32 s22, s19  }
0x61: {  	s19 =	sand.u32 $0xFFFFFF80, s19  }
0x62: {  	v4 =	vadd.s32 s25, v1;
	p0 =	sgt.s32 s19, $0x0  }
0x63: {  	[tilespmem:s26+$0x700] =	vst v3;
	vm0 =	vgt.s32 v4, $0x0;
	s19 =	simm.s32 @!p0 $0x0  }
0x64: {  	v2 =	vld.idx.msk [tilespmem:v2+s4+$0x0], $0xffff;
	v3 =	vnsel vm0, $0x0, v4;
	s19 =	smin.u32 s19, $0xC00  }
0x65: {  	v3 =	vmin.u32 v3, $0x100;
	s29 =	ssub.s32 s19, s14  }
0x66: {  	s22 =	sadd.s32 $0xFFFFFF88, s29  }
0x67: {  	s24 =	sadd.s32 $0x0, s22  }
0x68: {  	s23 =	sand.u32 $0x7F0, s23;
	v4 =	vadd.s32 s24, v1  }
0x69: {  	[tilespmem:s23+$0x700] =	vst v2;
	vm14 =	vgt.s32 v4, $0x0  }
0x6a: {  	v2 =	vld.idx.msk [tilespmem:v3+s4+$0x0], $0xffff;
	v3 =	vnsel vm14, $0x0, v4  }
0x6b: {  	v3 =	vmin.u32 v3, $0x100;
	_ =	sdelay $0x1  }
0x6c: {  	s30 =	sadd.s32 $0x10, s22  }
0x6d: {  	s20 =	sand.u32 $0x7F0, s20;
	v4 =	vadd.s32 s30, v1  }
0x6e: {  	vm15 =	vgt.s32 v4, $0x0;
	[tilespmem:s20+$0x700] =	vst v2  }
0x6f: {  	v2 =	vnsel vm15, $0x0, v4;
	v3 =	vld.idx.msk [tilespmem:v3+s4+$0x0], $0xffff  }
0x70: {  	v2 =	vmin.u32 v2, $0x100  }
0x71: {  	s31 =	simm.s32 $0x0  }
0x72: {  	s26 =	sand.u32 $0x7F0, s31;
	s23 =	simm.s32 $0x10  }
0x73: {  	s25 =	sadd.s32 $0x20, s22;
	s24 =	simm.s32 $0x30;
	s20 =	simm.s32 $0x20  }
.LBB2_6:
0x74: {  	p0 =	sne.s32 s24, $0x4F0;
	v4 =	vadd.s32 s25, v1;
	[tilespmem:s26+$0xC00] =	vst v3;
	s26 =	smov.u32 s23;
	s23 =	smov.u32 s20  }
0x75: {  	s20 =	smov.u32 s24;
	vm0 =	vgt.s32 v4, $0x0;
	v3 =	vld.idx.msk [tilespmem:v2+s4+$0x0], $0xffff  }
.Ltmp2:
0x76: {  	v2 =	vnsel vm0, $0x0, v4;
	(pc) =	sbr.rel @p0 .LBB2_6-.Ltmp2, $2  }
0x77: {  	v2 =	vmin.u32 v2, $0x100;
	_ =	sdelay $0x2  }
0x78: {  	s24 =	sadd.s32 $0x10, s24;
	s25 =	sadd.s32 s22, s20;
	s26 =	sand.u32 $0x7F0, s26  }
0x79: {  	_ =	sdelay $0x1  }
0x7a: {  	v4 =	vadd.s32 s25, v1  }
0x7b: {  	[tilespmem:s26+$0xC00] =	vst v3;
	vm0 =	vgt.s32 v4, $0x0  }
0x7c: {  	v2 =	vld.idx.msk [tilespmem:v2+s4+$0x0], $0xffff;
	v3 =	vnsel vm0, $0x0, v4  }
0x7d: {  	s19 =	ssub.s32 s19, s15;
	v3 =	vmin.u32 v3, $0x100  }
0x7e: {  	s19 =	sadd.s32 $0xFFFFFF88, s19  }
0x7f: {  	s22 =	sadd.s32 $0x0, s19  }
0x80: {  	s23 =	sand.u32 $0x7F0, s23;
	v4 =	vadd.s32 s22, v1  }
0x81: {  	vm14 =	vgt.s32 v4, $0x0;
	[tilespmem:s23+$0xC00] =	vst v2  }
0x82: {  	v2 =	vld.idx.msk [tilespmem:v3+s4+$0x0], $0xffff;
	v3 =	vnsel vm14, $0x0, v4  }
0x83: {  	v3 =	vmin.u32 v3, $0x100;
	_ =	sdelay $0x1  }
0x84: {  	s30 =	sadd.s32 $0x10, s19  }
0x85: {  	s20 =	sand.u32 $0x7F0, s20;
	v4 =	vadd.s32 s30, v1  }
0x86: {  	vm15 =	vgt.s32 v4, $0x0;
	[tilespmem:s20+$0xC00] =	vst v2  }
0x87: {  	v2 =	vnsel vm15, $0x0, v4;
	v3 =	vld.idx.msk [tilespmem:v3+s4+$0x0], $0xffff  }
0x88: {  	v2 =	vmin.u32 v2, $0x100  }
0x89: {  	s31 =	simm.s32 $0x0  }
0x8a: {  	s25 =	sand.u32 $0x7F0, s31;
	s24 =	sadd.s32 $0x20, s19  }
0x8b: {  	s22 =	simm.s32 $0x20;
	s23 =	simm.s32 $0x30;
	s20 =	simm.s32 $0x10  }
.LBB2_8:
0x8c: {  	p0 =	sne.s32 s23, $0x4F0;
	v4 =	vadd.s32 s24, v1;
	[tilespmem:s25+$0x1100] =	vst v3;
	s25 =	smov.u32 s20;
	s20 =	smov.u32 s22  }
0x8d: {  	s22 =	smov.u32 s23;
	vm0 =	vgt.s32 v4, $0x0;
	v3 =	vld.idx.msk [tilespmem:v2+s4+$0x0], $0xffff  }
.Ltmp3:
0x8e: {  	v2 =	vnsel vm0, $0x0, v4;
	(pc) =	sbr.rel @p0 .LBB2_8-.Ltmp3, $2  }
0x8f: {  	v2 =	vmin.u32 v2, $0x100;
	_ =	sdelay $0x2  }
0x90: {  	s23 =	sadd.s32 $0x10, s23;
	s24 =	sadd.s32 s19, s22;
	s25 =	sand.u32 $0x7F0, s25  }
0x91: {  	_ =	sdelay $0x1  }
0x92: {  	v1 =	vadd.s32 s24, v1  }
0x93: {  	[tilespmem:s25+$0x1100] =	vst v3;
	vm0 =	vgt.s32 v1, $0x0  }
0x94: {  	v2 =	vld.idx.msk [tilespmem:v2+s4+$0x0], $0xffff;
	v1 =	vnsel vm0, $0x0, v1  }
0x95: {  	v1 =	vmin.u32 v1, $0x100;
	_ =	sdelay $0x2  }
0x96: {  	s19 =	sand.u32 $0x7F0, s20  }
0x97: {  	[tilespmem:s19+$0x1100] =	vst v2  }
0x98: {  	v1 =	vld.idx.msk [tilespmem:v1+s4+$0x0], $0xffff;
	_ =	sdelay $0x3  }
0x99: {  	s22 =	sand.u32 $0x7F0, s22  }
0x9a: {  	s23 =	rddreg [dreg:$0x7];
	s24 =	simm.s32 $0x2F8;
	s19 =	simm.s32 $0x0;
	[tilespmem:s22+$0x1100] =	vst v1  }
0x9b: {  	[hbm4b:s23+s19] =	stream.linear.scatter [tilespmem:s24], [sflag:$0x1], $0x400, $0x38;
	[tilespmem:$0x1600] =	vst v63  }
0x9c: {  	s25 =	rddreg [dreg:$0x8];
	s26 =	simm.s32 $0x2F0  }
0x9d: {  	[hbm4b:s25+s19] =	stream.linear.scatter [tilespmem:s26], [sflag:$0x1], $0x400, $0x38;
	[tilespmem:$0x1600] =	vst v63  }
0x9e: {  	s28 =	rddreg [dreg:$0x9];
	s29 =	simm.s32 $0x2E8  }
0x9f: {  	[hbm4b:s28+s19] =	stream.linear.scatter [tilespmem:s29], [sflag:$0x1], $0x400, $0x38;
	[tilespmem:$0x1600] =	vst v63  }
0xa0: {  	s30 =	rddreg [dreg:$0xa];
	s31 =	simm.s32 $0x2E0  }
0xa1: {  	[hbm4b:s30+s19] =	stream.linear.scatter [tilespmem:s31], [sflag:$0x1], $0x400, $0x38;
	[tilespmem:$0x1600] =	vst v63  }
0xa2: {  	s23 =	rddreg [dreg:$0xb];
	s24 =	simm.s32 $0x2D8  }
0xa3: {  	[hbm4b:s23+s19] =	stream.linear.scatter [tilespmem:s24], [sflag:$0x1], $0x400, $0x38;
	[tilespmem:$0x1600] =	vst v63  }
0xa4: {  	s25 =	rddreg [dreg:$0xc];
	s26 =	simm.s32 $0x2D0  }
0xa5: {  	[hbm4b:s25+s19] =	stream.linear.scatter [tilespmem:s26], [sflag:$0x1], $0x400, $0x38;
	[tilespmem:$0x1600] =	vst v63  }
0xa6: {  	s28 =	rddreg [dreg:$0x10];
	s29 =	simm.s32 $0x2C8  }
0xa7: {  	[hbm4b:s28+s19] =	stream.linear.scatter [tilespmem:s29], [sflag:$0x1], $0x400, $0x38;
	[tilespmem:$0x1600] =	vst v63  }
0xa8: {  	s30 =	rddreg [dreg:$0x11];
	s31 =	simm.s32 $0x2C0  }
0xa9: {  	[hbm4b:s30+s19] =	stream.linear.scatter [tilespmem:s31], [sflag:$0x1], $0x400, $0x38;
	[tilespmem:$0x1600] =	vst v63  }
0xaa: {  	s23 =	rddreg [dreg:$0xd];
	s24 =	simm.s32 $0x2B8  }
0xab: {  	[hbm4b:s23+s19] =	stream.linear.scatter [tilespmem:s24], [sflag:$0x1], $0x400, $0x38;
	[tilespmem:$0x1600] =	vst v63  }
0xac: {  	s25 =	rddreg [dreg:$0x12];
	s26 =	simm.s32 $0x2B0  }
0xad: {  	[hbm4b:s25+s19] =	stream.linear.scatter [tilespmem:s26], [sflag:$0x1], $0x400, $0x38;
	[tilespmem:$0x1600] =	vst v63  }
0xae: {  	s28 =	rddreg [dreg:$0x13];
	s29 =	simm.s32 $0x2A8  }
0xaf: {  	[hbm4b:s28+s19] =	stream.linear.scatter [tilespmem:s29], [sflag:$0x1], $0x400, $0x38;
	[tilespmem:$0x1600] =	vst v63  }
0xb0: {  	s30 =	rddreg [dreg:$0x14];
	s31 =	simm.s32 $0x2A0  }
0xb1: {  	[hbm4b:s30+s19] =	stream.linear.scatter [tilespmem:s31], [sflag:$0x1], $0x400, $0x38;
	[tilespmem:$0x1600] =	vst v63  }
0xb2: {  	s23 =	rddreg [dreg:$0x15];
	s24 =	simm.s32 $0x298  }
0xb3: {  	[hbm4b:s23+s19] =	stream.linear.scatter [tilespmem:s24], [sflag:$0x1], $0x400, $0x38;
	[tilespmem:$0x1600] =	vst v63  }
0xb4: {  	s25 =	rddreg [dreg:$0x16];
	s26 =	simm.s32 $0x290  }
0xb5: {  	[hbm4b:s25+s19] =	stream.linear.scatter [tilespmem:s26], [sflag:$0x1], $0x400, $0x38;
	[tilespmem:$0x1600] =	vst v63  }
0xb6: {  	s28 =	rddreg [dreg:$0x17];
	s29 =	simm.s32 $0x288  }
0xb7: {  	[hbm4b:s28+s19] =	stream.linear.scatter [tilespmem:s29], [sflag:$0x1], $0x400, $0x38;
	[tilespmem:$0x1600] =	vst v63  }
0xb8: {  	s30 =	rddreg [dreg:$0x18];
	s31 =	simm.s32 $0x280  }
0xb9: {  	[hbm4b:s30+s19] =	stream.linear.scatter [tilespmem:s31], [sflag:$0x1], $0x400, $0x38;
	[tilespmem:$0x1600] =	vst v63  }
0xba: {  	s23 =	rddreg [dreg:$0xe];
	s24 =	simm.s32 $0x278  }
0xbb: {  	[hbm4b:s23+s19] =	stream.linear.scatter [tilespmem:s24], [sflag:$0x1], $0x400, $0x38;
	[tilespmem:$0x1600] =	vst v63  }
0xbc: {  	s25 =	rddreg [dreg:$0x19];
	s26 =	simm.s32 $0x270  }
0xbd: {  	[hbm4b:s25+s19] =	stream.linear.scatter [tilespmem:s26], [sflag:$0x1], $0x400, $0x38;
	[tilespmem:$0x1600] =	vst v63  }
0xbe: {  	s28 =	rddreg [dreg:$0x1a];
	s29 =	simm.s32 $0x268  }
0xbf: {  	[hbm4b:s28+s19] =	stream.linear.scatter [tilespmem:s29], [sflag:$0x1], $0x400, $0x38;
	[tilespmem:$0x1600] =	vst v63  }
0xc0: {  	s30 =	rddreg [dreg:$0x1b];
	s31 =	simm.s32 $0x260  }
0xc1: {  	[hbm4b:s30+s19] =	stream.linear.scatter [tilespmem:s31], [sflag:$0x1], $0x400, $0x38;
	[tilespmem:$0x1600] =	vst v63  }
0xc2: {  	s22 =	simm.s32 $0x258  }
0xc3: {  	[hbm4b:s0+s19] =	stream.linear.scatter [tilespmem:s22], [sflag:$0x1], $0x400, $0x38;
	[tilespmem:$0x1600] =	vst v63  }
0xc4: {  	s23 =	simm.s32 $0x250  }
0xc5: {  	[hbm4b:s3+s19] =	stream.linear.scatter [tilespmem:s23], [sflag:$0x1], $0x400, $0x38;
	[tilespmem:$0x1600] =	vst v63  }
0xc6: {  	s24 =	simm.s32 $0x248  }
0xc7: {  	[hbm4b:s1+s19] =	stream.linear.scatter [tilespmem:s24], [sflag:$0x1], $0x400, $0x38;
	[tilespmem:$0x1600] =	vst v63  }
0xc8: {  	s25 =	simm.s32 $0x240  }
0xc9: {  	[hbm4b:s2+s19] =	stream.linear.scatter [tilespmem:s25], [sflag:$0x1], $0x400, $0x38;
	[tilespmem:$0x1600] =	vst v63  }
0xca: {  	s26 =	rddreg [dreg:$0xf];
	s28 =	simm.s32 $0x238  }
0xcb: {  	[hbm4b:s26+s19] =	stream.linear.scatter [tilespmem:s28], [sflag:$0x1], $0x400, $0x38;
	[tilespmem:$0x1600] =	vst v63  }
0xcc: {  	s29 =	simm.s32 $0x230  }
0xcd: {  	[hbm4b:s5+s19] =	stream.linear.scatter [tilespmem:s29], [sflag:$0x1], $0x400, $0x38;
	[tilespmem:$0x1600] =	vst v63  }
0xce: {  	s30 =	simm.s32 $0x228  }
0xcf: {  	[hbm4b:s7+s19] =	stream.linear.scatter [tilespmem:s30], [sflag:$0x1], $0x400, $0x38;
	[tilespmem:$0x1600] =	vst v63  }
0xd0: {  	s31 =	simm.s32 $0x220  }
0xd1: {  	[hbm4b:s8+s19] =	stream.linear.scatter [tilespmem:s31], [sflag:$0x1], $0x400, $0x38;
	[tilespmem:$0x1600] =	vst v63  }
0xd2: {  	s22 =	simm.s32 $0x218  }
0xd3: {  	[hbm4b:s9+s19] =	stream.linear.scatter [tilespmem:s22], [sflag:$0x1], $0x400, $0x38;
	[tilespmem:$0x1600] =	vst v63  }
0xd4: {  	s23 =	simm.s32 $0x210  }
0xd5: {  	[hbm4b:s10+s19] =	stream.linear.scatter [tilespmem:s23], [sflag:$0x1], $0x400, $0x38;
	[tilespmem:$0x1600] =	vst v63  }
0xd6: {  	s24 =	simm.s32 $0x208  }
0xd7: {  	[hbm4b:s11+s19] =	stream.linear.scatter [tilespmem:s24], [sflag:$0x1], $0x400, $0x38;
	[tilespmem:$0x1600] =	vst v63  }
0xd8: {  	s20 =	sadd.s32 $0x0, s21;
	s25 =	simm.s32 $0x200  }
0xd9: {  	[hbm4b:s12+s19] =	stream.linear.scatter [tilespmem:s25], [sflag:$0x1], $0x400, $0x38;
	[tilespmem:$0x1600] =	vst v63  }
0xda: {  	s26 =	simm.s32 $0x7F8;
	s23 =	sadd.s32 $0x8000, s20  }
0xdb: {  	[hbm4b:s23+s19] =	stream.linear.scatter [tilespmem:s26], [sflag:$0x1], $0x400, $0x38;
	[tilespmem:$0x1600] =	vst v63  }
0xdc: {  	s28 =	sadd.s32 $0x8400, s20;
	s29 =	simm.s32 $0x7F0  }
0xdd: {  	[hbm4b:s28+s19] =	stream.linear.scatter [tilespmem:s29], [sflag:$0x1], $0x400, $0x38;
	[tilespmem:$0x1600] =	vst v63  }
0xde: {  	s30 =	sadd.s32 $0x8800, s20;
	s31 =	simm.s32 $0x7E8;
	s22 =	sadd.s32 $0x2000, s21  }
0xdf: {  	[hbm4b:s30+s19] =	stream.linear.scatter [tilespmem:s31], [sflag:$0x1], $0x400, $0x38;
	[tilespmem:$0x1600] =	vst v63  }
0xe0: {  	s24 =	simm.s32 $0x7E0;
	s25 =	sadd.s32 $0x9000, s20;
	s23 =	sadd.s32 $0x8C00, s20  }
0xe1: {  	[hbm4b:s23+s19] =	stream.linear.scatter [tilespmem:s24], [sflag:$0x1], $0x400, $0x38;
	[tilespmem:$0x1600] =	vst v63  }
0xe2: {  	s26 =	simm.s32 $0x7D8;
	s28 =	sadd.s32 $0x9400, s20;
	s29 =	simm.s32 $0x7D0  }
0xe3: {  	[hbm4b:s25+s19] =	stream.linear.scatter [tilespmem:s26], [sflag:$0x1], $0x400, $0x38;
	[tilespmem:$0x1600] =	vst v63  }
0xe4: {  	s30 =	sadd.s32 $0x9800, s20;
	s31 =	simm.s32 $0x7C8;
	s24 =	simm.s32 $0x4000  }
0xe5: {  	[hbm4b:s28+s19] =	stream.linear.scatter [tilespmem:s29], [sflag:$0x1], $0x400, $0x38;
	[tilespmem:$0x1600] =	vst v63  }
0xe6: {  	s23 =	simm.s32 $0x7B8;
	s25 =	sadd.s32 $0x9C00, s20;
	s26 =	simm.s32 $0x7C0  }
0xe7: {  	[hbm4b:s30+s19] =	stream.linear.scatter [tilespmem:s31], [sflag:$0x1], $0x400, $0x38;
	[tilespmem:$0x1600] =	vst v63  }
.LBB2_10:
0xe8: {  	[hbm4b:s25+s19] =	stream.linear.scatter [tilespmem:s26], [sflag:$0x1], $0x400, $0x38;
	[tilespmem:$0x1600] =	vst v63  }
0xe9: {  	s25 =	smov.u32 s22;
	s22 =	smov.u32 s24  }
0xea: {  	s28 =	sadd.s32 $0x2000, s24;
	s22 =	sadd.s32 s22, s21;
	s26 =	sadd.s32 $0x8000, s25  }
0xeb: {  	[hbm4b:s26+s19] =	stream.linear.scatter [tilespmem:s23], [sflag:$0x1], $0x400, $0x38;
	[tilespmem:$0x1600] =	vst v63  }
0xec: {  	p0 =	sne.s32 s24, $0x6000;
	s24 =	sadd.s32 $0x8400, s25;
	s26 =	sadd.s32 $0xFFFFFFF8, s23  }
0xed: {  	[hbm4b:s24+s19] =	stream.linear.scatter [tilespmem:s26], [sflag:$0x1], $0x400, $0x38;
	[tilespmem:$0x1600] =	vst v63  }
0xee: {  	s24 =	sadd.s32 $0x8800, s25;
	s26 =	sadd.s32 $0xFFFFFFF0, s23  }
0xef: {  	[hbm4b:s24+s19] =	stream.linear.scatter [tilespmem:s26], [sflag:$0x1], $0x400, $0x38;
	[tilespmem:$0x1600] =	vst v63  }
0xf0: {  	s24 =	sadd.s32 $0x8C00, s25;
	s26 =	sadd.s32 $0xFFFFFFE8, s23  }
0xf1: {  	[hbm4b:s24+s19] =	stream.linear.scatter [tilespmem:s26], [sflag:$0x1], $0x400, $0x38;
	[tilespmem:$0x1600] =	vst v63  }
0xf2: {  	s24 =	sadd.s32 $0x9000, s25;
	s26 =	sadd.s32 $0xFFFFFFE0, s23  }
0xf3: {  	[hbm4b:s24+s19] =	stream.linear.scatter [tilespmem:s26], [sflag:$0x1], $0x400, $0x38;
	[tilespmem:$0x1600] =	vst v63  }
.Ltmp4:
0xf4: {  	s24 =	sadd.s32 $0x9400, s25;
	s26 =	sadd.s32 $0xFFFFFFD8, s23;
	(pc) =	sbr.rel @p0 .LBB2_10-.Ltmp4, $4  }
0xf5: {  	[hbm4b:s24+s19] =	stream.linear.scatter [tilespmem:s26], [sflag:$0x1], $0x400, $0x38;
	[tilespmem:$0x1600] =	vst v63  }
0xf6: {  	s24 =	sadd.s32 $0x9800, s25;
	s26 =	sadd.s32 $0xFFFFFFD0, s23;
	s25 =	sadd.s32 $0x9C00, s25  }
0xf7: {  	[hbm4b:s24+s19] =	stream.linear.scatter [tilespmem:s26], [sflag:$0x1], $0x400, $0x38;
	[tilespmem:$0x1600] =	vst v63  }
0xf8: {  	s26 =	sadd.s32 $0xFFFFFFC8, s23;
	s23 =	sadd.s32 $0xFFFFFFC0, s23;
	s24 =	smov.u32 s28  }
0xf9: {  	[hbm4b:s25+s19] =	stream.linear.scatter [tilespmem:s26], [sflag:$0x1], $0x400, $0x38;
	[tilespmem:$0x1600] =	vst v63  }
0xfa: {  	s24 =	sadd.s32 $0x8000, s22  }
0xfb: {  	[hbm4b:s24+s19] =	stream.linear.scatter [tilespmem:s23], [sflag:$0x1], $0x400, $0x38;
	[tilespmem:$0x1600] =	vst v63  }
0xfc: {  	s26 =	sadd.s32 $0x8400, s22;
	s29 =	sadd.s32 $0xFFFFFFF8, s23  }
0xfd: {  	[hbm4b:s26+s19] =	stream.linear.scatter [tilespmem:s29], [sflag:$0x1], $0x400, $0x38;
	[tilespmem:$0x1600] =	vst v63  }
0xfe: {  	s30 =	sadd.s32 $0x8800, s22;
	s31 =	sadd.s32 $0xFFFFFFF0, s23  }
0xff: {  	[hbm4b:s30+s19] =	stream.linear.scatter [tilespmem:s31], [sflag:$0x1], $0x400, $0x38;
	[tilespmem:$0x1600] =	vst v63  }
0x100: {  	s26 =	sadd.s32 $0x8C00, s22;
	s29 =	sadd.s32 $0xFFFFFFE8, s23  }
0x101: {  	[hbm4b:s26+s19] =	stream.linear.scatter [tilespmem:s29], [sflag:$0x1], $0x400, $0x38;
	[tilespmem:$0x1600] =	vst v63  }
0x102: {  	s30 =	sadd.s32 $0x9000, s22;
	s31 =	sadd.s32 $0xFFFFFFE0, s23  }
0x103: {  	[hbm4b:s30+s19] =	stream.linear.scatter [tilespmem:s31], [sflag:$0x1], $0x400, $0x38;
	[tilespmem:$0x1600] =	vst v63  }
0x104: {  	s26 =	sadd.s32 $0x9400, s22;
	s29 =	sadd.s32 $0xFFFFFFD8, s23  }
0x105: {  	[hbm4b:s26+s19] =	stream.linear.scatter [tilespmem:s29], [sflag:$0x1], $0x400, $0x38;
	[tilespmem:$0x1600] =	vst v63  }
0x106: {  	s30 =	sadd.s32 $0x9800, s22;
	s31 =	sadd.s32 $0xFFFFFFD0, s23  }
0x107: {  	[hbm4b:s30+s19] =	stream.linear.scatter [tilespmem:s31], [sflag:$0x1], $0x400, $0x38;
	[tilespmem:$0x1600] =	vst v63  }
0x108: {  	s25 =	sadd.s32 $0x10400, s20;
	s26 =	sadd.s32 $0x9C00, s22;
	s29 =	sadd.s32 $0xFFFFFFC8, s23  }
0x109: {  	[hbm4b:s26+s19] =	stream.linear.scatter [tilespmem:s29], [sflag:$0x1], $0x400, $0x38;
	[tilespmem:$0x1600] =	vst v63  }
0x10a: {  	s30 =	simm.s32 $0xCF8;
	s31 =	sadd.s32 $0x10000, s20;
	s19 =	simm.s32 $0x0  }
0x10b: {  	[hbm4b:s31+s19] =	stream.linear.scatter [tilespmem:s30], [sflag:$0x1], $0x400, $0x38;
	[tilespmem:$0x1600] =	vst v63  }
0x10c: {  	s28 =	simm.s32 $0xCC0;
	s24 =	simm.s32 $0xCF0;
	s22 =	sadd.s32 $0x2000, s21  }
0x10d: {  	[hbm4b:s25+s19] =	stream.linear.scatter [tilespmem:s24], [sflag:$0x1], $0x400, $0x38;
	[tilespmem:$0x1600] =	vst v63  }
0x10e: {  	s23 =	sadd.s32 $0x11C00, s20;
	s26 =	sadd.s32 $0x10800, s20;
	s29 =	simm.s32 $0xCE8  }
0x10f: {  	[hbm4b:s26+s19] =	stream.linear.scatter [tilespmem:s29], [sflag:$0x1], $0x400, $0x38;
	[tilespmem:$0x1600] =	vst v63  }
0x110: {  	s30 =	sadd.s32 $0x10C00, s20;
	s31 =	simm.s32 $0xCE0;
	s24 =	sadd.s32 $0x11000, s20  }
0x111: {  	[hbm4b:s30+s19] =	stream.linear.scatter [tilespmem:s31], [sflag:$0x1], $0x400, $0x38;
	[tilespmem:$0x1600] =	vst v63  }
0x112: {  	s25 =	simm.s32 $0xCD8;
	s26 =	sadd.s32 $0x11400, s20;
	s29 =	simm.s32 $0xCD0  }
0x113: {  	[hbm4b:s24+s19] =	stream.linear.scatter [tilespmem:s25], [sflag:$0x1], $0x400, $0x38;
	[tilespmem:$0x1600] =	vst v63  }
0x114: {  	s30 =	sadd.s32 $0x11800, s20;
	s31 =	simm.s32 $0xCC8;
	s20 =	simm.s32 $0xCB8  }
0x115: {  	[hbm4b:s26+s19] =	stream.linear.scatter [tilespmem:s29], [sflag:$0x1], $0x400, $0x38;
	[tilespmem:$0x1600] =	vst v63  }
0x116: {  	s24 =	simm.s32 $0xCB0;
	s25 =	simm.s32 $0x0;
	s26 =	simm.s32 $0x4000  }
0x117: {  	[hbm4b:s30+s19] =	stream.linear.scatter [tilespmem:s31], [sflag:$0x1], $0x400, $0x38;
	[tilespmem:$0x1600] =	vst v63  }
.LBB2_12:
0x118: {  	[hbm4b:s23+s25] =	stream.linear.scatter [tilespmem:s28], [sflag:$0x1], $0x400, $0x38;
	[tilespmem:$0x1600] =	vst v63  }
0x119: {  	s28 =	smov.u32 s22;
	s22 =	smov.u32 s26;
	s29 =	smov.u32 s20  }
0x11a: {  	s23 =	sadd.s32 $0x10000, s28;
	s25 =	sadd.s32 $0x10400, s28;
	s30 =	sadd.s32 $0x10C00, s28  }
0x11b: {  	[hbm4b:s23+s19] =	stream.linear.scatter [tilespmem:s20], [sflag:$0x1], $0x400, $0x38;
	[tilespmem:$0x1600] =	vst v63  }
0x11c: {  	s31 =	sadd.s32 $0x2000, s26;
	s22 =	sadd.s32 s22, s21;
	s23 =	sadd.s32 $0x11C00, s28  }
0x11d: {  	[hbm4b:s25+s19] =	stream.linear.scatter [tilespmem:s24], [sflag:$0x1], $0x400, $0x38;
	[tilespmem:$0x1600] =	vst v63  }
0x11e: {  	p0 =	sne.s32 s26, $0x6000;
	s24 =	sadd.s32 $0x10800, s28;
	s25 =	sadd.s32 $0xFFFFFFF0, s20  }
0x11f: {  	[hbm4b:s24+s19] =	stream.linear.scatter [tilespmem:s25], [sflag:$0x1], $0x400, $0x38;
	[tilespmem:$0x1600] =	vst v63  }
0x120: {  	s24 =	sadd.s32 $0xFFFFFFE8, s20;
	s25 =	smov.u32 s19  }
0x121: {  	[hbm4b:s30+s25] =	stream.linear.scatter [tilespmem:s24], [sflag:$0x1], $0x400, $0x38;
	[tilespmem:$0x1600] =	vst v63  }
0x122: {  	s26 =	sadd.s32 $0xFFFFFFE0, s20;
	s24 =	sadd.s32 $0x11000, s28  }
0x123: {  	[hbm4b:s24+s25] =	stream.linear.scatter [tilespmem:s26], [sflag:$0x1], $0x400, $0x38;
	[tilespmem:$0x1600] =	vst v63  }
.Ltmp5:
0x124: {  	s24 =	sadd.s32 $0x11400, s28;
	s26 =	sadd.s32 $0xFFFFFFD8, s20;
	(pc) =	sbr.rel @p0 .LBB2_12-.Ltmp5, $4  }
0x125: {  	[hbm4b:s24+s25] =	stream.linear.scatter [tilespmem:s26], [sflag:$0x1], $0x400, $0x38;
	[tilespmem:$0x1600] =	vst v63  }
0x126: {  	s20 =	sadd.s32 $0xFFFFFFC0, s20;
	s24 =	sadd.s32 $0x11800, s28;
	s26 =	sadd.s32 $0xFFFFFFD0, s29  }
0x127: {  	[hbm4b:s24+s25] =	stream.linear.scatter [tilespmem:s26], [sflag:$0x1], $0x400, $0x38;
	[tilespmem:$0x1600] =	vst v63  }
0x128: {  	s28 =	sadd.s32 $0xFFFFFFC8, s29;
	s24 =	sadd.s32 $0xFFFFFFF8, s20;
	s26 =	smov.u32 s31  }
0x129: {  	[hbm4b:s23+s25] =	stream.linear.scatter [tilespmem:s28], [sflag:$0x1], $0x400, $0x38;
	[tilespmem:$0x1600] =	vst v63  }
0x12a: {  	s25 =	sadd.s32 $0x10000, s22  }
0x12b: {  	[hbm4b:s25+s19] =	stream.linear.scatter [tilespmem:s20], [sflag:$0x1], $0x400, $0x38;
	[tilespmem:$0x1600] =	vst v63  }
0x12c: {  	s26 =	sadd.s32 $0x10400, s22  }
0x12d: {  	[hbm4b:s26+s19] =	stream.linear.scatter [tilespmem:s24], [sflag:$0x1], $0x400, $0x38;
	[tilespmem:$0x1600] =	vst v63  }
0x12e: {  	s28 =	sadd.s32 $0x10800, s22;
	s29 =	sadd.s32 $0xFFFFFFF0, s20  }
0x12f: {  	[hbm4b:s28+s19] =	stream.linear.scatter [tilespmem:s29], [sflag:$0x1], $0x400, $0x38;
	[tilespmem:$0x1600] =	vst v63  }
0x130: {  	s30 =	sadd.s32 $0x10C00, s22;
	s31 =	sadd.s32 $0xFFFFFFE8, s20  }
0x131: {  	[hbm4b:s30+s19] =	stream.linear.scatter [tilespmem:s31], [sflag:$0x1], $0x400, $0x38;
	[tilespmem:$0x1600] =	vst v63  }
0x132: {  	s25 =	sadd.s32 $0x11000, s22;
	s26 =	sadd.s32 $0xFFFFFFE0, s20  }
0x133: {  	[hbm4b:s25+s19] =	stream.linear.scatter [tilespmem:s26], [sflag:$0x1], $0x400, $0x38;
	[tilespmem:$0x1600] =	vst v63  }
0x134: {  	s28 =	sadd.s32 $0x11400, s22;
	s29 =	sadd.s32 $0xFFFFFFD8, s20  }
0x135: {  	[hbm4b:s28+s19] =	stream.linear.scatter [tilespmem:s29], [sflag:$0x1], $0x400, $0x38;
	[tilespmem:$0x1600] =	vst v63  }
0x136: {  	s30 =	sadd.s32 $0x11800, s22;
	s31 =	sadd.s32 $0xFFFFFFD0, s20  }
0x137: {  	[hbm4b:s30+s19] =	stream.linear.scatter [tilespmem:s31], [sflag:$0x1], $0x400, $0x38;
	[tilespmem:$0x1600] =	vst v63  }
0x138: {  	s23 =	sadd.s32 $0x11C00, s22;
	s24 =	sadd.s32 $0xFFFFFFC8, s20;
	s20 =	sadd.s32 $0x0, s21  }
0x139: {  	[hbm4b:s23+s19] =	stream.linear.scatter [tilespmem:s24], [sflag:$0x1], $0x400, $0x38;
	[tilespmem:$0x1600] =	vst v63  }
0x13a: {  	s25 =	simm.s32 $0x11F8;
	s26 =	sadd.s32 $0x18000, s20  }
0x13b: {  	[hbm4b:s26+s4] =	stream.linear.scatter [tilespmem:s25], [sflag:$0x1], $0x400, $0x38;
	[tilespmem:$0x1600] =	vst v63  }
0x13c: {  	s28 =	sadd.s32 $0x18400, s20;
	s29 =	simm.s32 $0x11F0  }
0x13d: {  	[hbm4b:s28+s4] =	stream.linear.scatter [tilespmem:s29], [sflag:$0x1], $0x400, $0x38;
	[tilespmem:$0x1600] =	vst v63  }
0x13e: {  	s22 =	simm.s32 $0x4000;
	s30 =	sadd.s32 $0x18800, s20;
	s31 =	simm.s32 $0x11E8  }
0x13f: {  	[hbm4b:s30+s4] =	stream.linear.scatter [tilespmem:s31], [sflag:$0x1], $0x400, $0x38;
	[tilespmem:$0x1600] =	vst v63  }
0x140: {  	s23 =	sadd.s32 $0x18C00, s20;
	s24 =	simm.s32 $0x11E0;
	s19 =	sadd.s32 $0x2000, s21  }
0x141: {  	[hbm4b:s23+s4] =	stream.linear.scatter [tilespmem:s24], [sflag:$0x1], $0x400, $0x38;
	[tilespmem:$0x1600] =	vst v63  }
0x142: {  	s25 =	sadd.s32 $0x19000, s20;
	s26 =	simm.s32 $0x11D8;
	s28 =	sadd.s32 $0x19400, s20  }
0x143: {  	[hbm4b:s25+s4] =	stream.linear.scatter [tilespmem:s26], [sflag:$0x1], $0x400, $0x38;
	[tilespmem:$0x1600] =	vst v63  }
0x144: {  	s29 =	simm.s32 $0x11D0;
	s30 =	sadd.s32 $0x19800, s20;
	s31 =	simm.s32 $0x11C8  }
0x145: {  	[hbm4b:s28+s4] =	stream.linear.scatter [tilespmem:s29], [sflag:$0x1], $0x400, $0x38;
	[tilespmem:$0x1600] =	vst v63  }
0x146: {  	s23 =	sadd.s32 $0x19C00, s20;
	s24 =	simm.s32 $0x11C0;
	s20 =	simm.s32 $0x11B8  }
0x147: {  	[hbm4b:s30+s4] =	stream.linear.scatter [tilespmem:s31], [sflag:$0x1], $0x400, $0x38;
	[tilespmem:$0x1600] =	vst v63  }
.LBB2_14:
0x148: {  	[hbm4b:s23+s4] =	stream.linear.scatter [tilespmem:s24], [sflag:$0x1], $0x400, $0x38;
	[tilespmem:$0x1600] =	vst v63  }
0x149: {  	s23 =	smov.u32 s19;
	s19 =	smov.u32 s22  }
0x14a: {  	s25 =	sadd.s32 $0x2000, s22;
	s19 =	sadd.s32 s19, s21;
	s24 =	sadd.s32 $0x18000, s23  }
0x14b: {  	[hbm4b:s24+s4] =	stream.linear.scatter [tilespmem:s20], [sflag:$0x1], $0x400, $0x38;
	[tilespmem:$0x1600] =	vst v63  }
0x14c: {  	p0 =	sne.s32 s22, $0x6000;
	s22 =	sadd.s32 $0x18400, s23;
	s24 =	sadd.s32 $0xFFFFFFF8, s20  }
0x14d: {  	[hbm4b:s22+s4] =	stream.linear.scatter [tilespmem:s24], [sflag:$0x1], $0x400, $0x38;
	[tilespmem:$0x1600] =	vst v63  }
0x14e: {  	s22 =	sadd.s32 $0x18800, s23;
	s24 =	sadd.s32 $0xFFFFFFF0, s20  }
0x14f: {  	[hbm4b:s22+s4] =	stream.linear.scatter [tilespmem:s24], [sflag:$0x1], $0x400, $0x38;
	[tilespmem:$0x1600] =	vst v63  }
0x150: {  	s22 =	sadd.s32 $0x18C00, s23;
	s24 =	sadd.s32 $0xFFFFFFE8, s20  }
0x151: {  	[hbm4b:s22+s4] =	stream.linear.scatter [tilespmem:s24], [sflag:$0x1], $0x400, $0x38;
	[tilespmem:$0x1600] =	vst v63  }
0x152: {  	s22 =	sadd.s32 $0x19000, s23;
	s24 =	sadd.s32 $0xFFFFFFE0, s20  }
0x153: {  	[hbm4b:s22+s4] =	stream.linear.scatter [tilespmem:s24], [sflag:$0x1], $0x400, $0x38;
	[tilespmem:$0x1600] =	vst v63  }
.Ltmp6:
0x154: {  	s22 =	sadd.s32 $0x19400, s23;
	s24 =	sadd.s32 $0xFFFFFFD8, s20;
	(pc) =	sbr.rel @p0 .LBB2_14-.Ltmp6, $4  }
0x155: {  	[hbm4b:s22+s4] =	stream.linear.scatter [tilespmem:s24], [sflag:$0x1], $0x400, $0x38;
	[tilespmem:$0x1600] =	vst v63  }
0x156: {  	s22 =	sadd.s32 $0x19800, s23;
	s24 =	sadd.s32 $0xFFFFFFD0, s20;
	s23 =	sadd.s32 $0x19C00, s23  }
0x157: {  	[hbm4b:s22+s4] =	stream.linear.scatter [tilespmem:s24], [sflag:$0x1], $0x400, $0x38;
	[tilespmem:$0x1600] =	vst v63  }
0x158: {  	s24 =	sadd.s32 $0xFFFFFFC8, s20;
	s20 =	sadd.s32 $0xFFFFFFC0, s20;
	s22 =	smov.u32 s25  }
0x159: {  	[hbm4b:s23+s4] =	stream.linear.scatter [tilespmem:s24], [sflag:$0x1], $0x400, $0x38;
	[tilespmem:$0x1600] =	vst v63  }
0x15a: {  	s22 =	sadd.s32 $0x18000, s19  }
0x15b: {  	[hbm4b:s22+s4] =	stream.linear.scatter [tilespmem:s20], [sflag:$0x1], $0x400, $0x38;
	[tilespmem:$0x1600] =	vst v63  }
0x15c: {  	s25 =	sadd.s32 $0x18400, s19;
	s26 =	sadd.s32 $0xFFFFFFF8, s20  }
0x15d: {  	[hbm4b:s25+s4] =	stream.linear.scatter [tilespmem:s26], [sflag:$0x1], $0x400, $0x38;
	[tilespmem:$0x1600] =	vst v63  }
0x15e: {  	s28 =	sadd.s32 $0x18800, s19;
	s29 =	sadd.s32 $0xFFFFFFF0, s20  }
0x15f: {  	[hbm4b:s28+s4] =	stream.linear.scatter [tilespmem:s29], [sflag:$0x1], $0x400, $0x38;
	[tilespmem:$0x1600] =	vst v63  }
0x160: {  	s30 =	sadd.s32 $0x18C00, s19;
	s31 =	sadd.s32 $0xFFFFFFE8, s20  }
0x161: {  	[hbm4b:s30+s4] =	stream.linear.scatter [tilespmem:s31], [sflag:$0x1], $0x400, $0x38;
	[tilespmem:$0x1600] =	vst v63  }
0x162: {  	s23 =	sadd.s32 $0x19000, s19;
	s24 =	sadd.s32 $0xFFFFFFE0, s20  }
0x163: {  	[hbm4b:s23+s4] =	stream.linear.scatter [tilespmem:s24], [sflag:$0x1], $0x400, $0x38;
	[tilespmem:$0x1600] =	vst v63  }
0x164: {  	s25 =	sadd.s32 $0x19400, s19;
	s26 =	sadd.s32 $0xFFFFFFD8, s20  }
0x165: {  	[hbm4b:s25+s4] =	stream.linear.scatter [tilespmem:s26], [sflag:$0x1], $0x400, $0x38;
	[tilespmem:$0x1600] =	vst v63  }
0x166: {  	s28 =	sadd.s32 $0x19800, s19;
	s29 =	sadd.s32 $0xFFFFFFD0, s20  }
0x167: {  	[hbm4b:s28+s4] =	stream.linear.scatter [tilespmem:s29], [sflag:$0x1], $0x400, $0x38;
	[tilespmem:$0x1600] =	vst v63  }
0x168: {  	s30 =	sadd.s32 $0x19C00, s19;
	s31 =	sadd.s32 $0xFFFFFFC8, s20  }
0x169: {  	[hbm4b:s30+s4] =	stream.linear.scatter [tilespmem:s31], [sflag:$0x1], $0x400, $0x38;
	[tilespmem:$0x1600] =	vst v63  }
0x16a: {  	_ =	swait.ge [sflag:s17], $0x400  }
0x16b: {  	[sflag:s17] =	ssyncset.done $0x0  }
0x16c: {  	[sflag:s17] =	ssyncadd.s32 $0xFFFFFC00  }
0x16d: {  	_ =	swait.ge [sflag:s17], $0x400  }
0x16e: {  	[sflag:s17] =	ssyncset.done $0x0  }
0x16f: {  	[sflag:s17] =	ssyncadd.s32 $0xFFFFFC00  }
0x170: {  	_ =	swait.ge [sflag:s17], $0x400  }
0x171: {  	[sflag:s17] =	ssyncset.done $0x0  }
0x172: {  	[sflag:s17] =	ssyncadd.s32 $0xFFFFFC00  }
0x173: {  	_ =	swait.ge [sflag:s17], $0x400  }
0x174: {  	[sflag:s17] =	ssyncset.done $0x0  }
0x175: {  	[sflag:s17] =	ssyncadd.s32 $0xFFFFFC00  }
0x176: {  	_ =	swait.ge [sflag:s17], $0x400  }
0x177: {  	[sflag:s17] =	ssyncset.done $0x0  }
0x178: {  	[sflag:s17] =	ssyncadd.s32 $0xFFFFFC00  }
0x179: {  	_ =	swait.ge [sflag:s17], $0x400  }
0x17a: {  	[sflag:s17] =	ssyncset.done $0x0  }
0x17b: {  	[sflag:s17] =	ssyncadd.s32 $0xFFFFFC00  }
0x17c: {  	_ =	swait.ge [sflag:s17], $0x400  }
0x17d: {  	[sflag:s17] =	ssyncset.done $0x0  }
0x17e: {  	[sflag:s17] =	ssyncadd.s32 $0xFFFFFC00  }
0x17f: {  	_ =	swait.ge [sflag:s17], $0x400  }
0x180: {  	s19 =	simm.s32 $0xF;
	[sflag:s17] =	ssyncset.done $0x0  }
.LBB2_16:
0x181: {  	p0 =	sne.s32 s19, $0x1;
	s19 =	sadd.s32 $0xFFFFFFFF, s19;
	[sflag:s17] =	ssyncadd.s32 $0xFFFFFC00  }
0x182: {  	_ =	swait.ge [sflag:s17], $0x400  }
0x183: {  	[sflag:s17] =	ssyncset.done $0x0  }
0x184: {  	[sflag:s17] =	ssyncadd.s32 $0xFFFFFC00  }
0x185: {  	_ =	swait.ge [sflag:s17], $0x400  }
0x186: {  	[sflag:s17] =	ssyncset.done $0x0  }
0x187: {  	[sflag:s17] =	ssyncadd.s32 $0xFFFFFC00  }
0x188: {  	_ =	swait.ge [sflag:s17], $0x400  }
0x189: {  	[sflag:s17] =	ssyncset.done $0x0  }
0x18a: {  	[sflag:s17] =	ssyncadd.s32 $0xFFFFFC00  }
0x18b: {  	_ =	swait.ge [sflag:s17], $0x400  }
0x18c: {  	[sflag:s17] =	ssyncset.done $0x0  }
0x18d: {  	[sflag:s17] =	ssyncadd.s32 $0xFFFFFC00  }
0x18e: {  	_ =	swait.ge [sflag:s17], $0x400  }
0x18f: {  	[sflag:s17] =	ssyncset.done $0x0  }
0x190: {  	[sflag:s17] =	ssyncadd.s32 $0xFFFFFC00  }
0x191: {  	_ =	swait.ge [sflag:s17], $0x400  }
0x192: {  	[sflag:s17] =	ssyncset.done $0x0  }
0x193: {  	[sflag:s17] =	ssyncadd.s32 $0xFFFFFC00  }
.Ltmp7:
0x194: {  	_ =	swait.ge [sflag:s17], $0x400;
	(pc) =	sbr.rel @p0 .LBB2_16-.Ltmp7, $4  }
0x195: {  	[sflag:s17] =	ssyncset.done $0x0  }
0x196: {  	[sflag:s17] =	ssyncadd.s32 $0xFFFFFC00  }
0x197: {  	_ =	swait.ge [sflag:s17], $0x400  }
0x198: {  	[sflag:s17] =	ssyncset.done $0x0  }
0x199: {  	s18 =	sadd.s32 $0x1, s18;
	s19 =	rddreg [dreg:$0x6]  }
0x19a: {  	p0 =	sne.s32 s18, s19  }
.Ltmp8:
0x19b: {  	_ = 	snop;
	(pc) =	sbr.rel @p0 .LBB2_1-.Ltmp8, $2  }
0x19c: {  	_ =	sdelay $0x2  }
0x19d: {  	[sflag:s17] =	ssyncadd.s32 $0xFFFFFC00  }
0x19e: {  	_ =	sfence.sel $0x180000  }
0x19f: {  	[bflag:$0x0] =	sbarrier.arrive $0xFFFF  }
0x1a0: {  	_ =	strace $0x90000047  }
0x1a1: {  	s0 =	stileid.u32;
	[bflag:$0x2] =	sbarrier.arrive $0xFFFF  }
0x1a2: {  	p0 =	sne.s32 s0, $0x0;
	s0 =	rddreg [dreg:$0x3]  }
0x1a3: {  	s0 =	sadd.s32 @!p0 $0x100000, s0  }
0x1a4: {  	[sflag:s0] =	ssyncadd.tile.s32 @!p0 $0x1;
	_ =	shalt  }
.Lfunc_end2:
_tile_overlayer_lowered:
.L_overlay_start_2:
0x1a5: {  	(tag) =	ssettag $0x2  }
0x1a6: {  	s0 =	rddreg [dreg:$0x0];
	s2 =	stileid.u32  }
0x1a7: {  	s1 =	rddreg [dreg:$0x1];
	p0 =	sne.s32 s2, $0x0  }
0x1a8: {  	s3 =	rddreg [dreg:$0x2];
	[bflag:$0x3] =	sbarrier.arrive $0xFFFF;
	s2 =	simm.s32 @!p0 $0x1C02  }
0x1a9: {  	[timem:s3], [sflag:s2] =	dma.local @!p0 [hbm:s0], s1  }
0x1aa: {  	s0 =	simm.s32 @!p0 $0x2  }
0x1ab: {  	_ =	swait.ge @!p0 [sflag:s0], s1  }
0x1ac: {  	s1 =	ssub.s32 @!p0 $0x0, s1;
	[sflag:s0] =	ssyncset.done @!p0 $0x0  }
0x1ad: {  	[sflag:s0] =	ssyncadd.s32 @!p0 s1  }
0x1ae: {  	[bflag:$0x3] =	sbarrier.arrive $0xFFFF  }
0x1af: {  	_ =	shalt  }

</sc_bundles>
